<compile_context>
chip_gen: v7x
topology: tpu7x:2x2x1
jax: 0.10.2.dev20260603
libtpu: 0.0.44.dev20260713+nightly
codegen_flags: <defaults>
</compile_context>

<pallas_src>
import functools

import jax
import jax.numpy as jnp
from jax import lax
from jax.experimental import pallas as pl
from jax.experimental.pallas import tpu as pltpu
from jax.experimental.pallas import tpu_sc as plsc

_SC_PARAMS = pltpu.CompilerParams(use_tc_tiling_on_sc=False)

NC = 2
NS = 16
NW = NC * NS
D = 16
C = 128


def _pad_rows(n):
    per_tile = -(-(n + 8) // (NS * 8)) * 8
    return per_tile * NS


def _sc_scatter_add(g, src, dst, n_pad, chunks_per_w):
    mesh = plsc.VectorSubcoreMesh(core_axis_name="c", subcore_axis_name="s")
    rows_per_tile = n_pad // NS

    @functools.partial(
        pl.kernel,
        out_type=jax.ShapeDtypeStruct((NC, n_pad, D), jnp.float32),
        mesh=mesh,
        scratch_types=[
            pltpu.VMEM((C,), jnp.int32),
            pltpu.VMEM((C,), jnp.int32),
            pltpu.VMEM((C, D), jnp.float32),
            pltpu.VMEM((rows_per_tile, D), jnp.float32),
            pltpu.VMEM_SHARED((n_pad, D), jnp.float32),
            pltpu.SemaphoreType.DMA,
        ],
        compiler_params=_SC_PARAMS,
    )
    def k(g_hbm, src_hbm, dst_hbm, out_hbm, src_v, dst_v, rows_v, zero_v,
          acc_sh, sem):
        cid = lax.axis_index("c")
        sid = lax.axis_index("s")
        wid = cid * NS + sid

        @pl.loop(0, rows_per_tile)
        def _(i):
            zero_v[i, :] = jnp.zeros((D,), jnp.float32)

        pltpu.sync_copy(zero_v, acc_sh.at[pl.ds(sid * rows_per_tile,
                                                rows_per_tile)])
        plsc.subcore_barrier()

        base = wid * chunks_per_w

        @pl.loop(0, chunks_per_w)
        def _(ci):
            off = (base + ci) * C
            pltpu.sync_copy(src_hbm.at[pl.ds(off, C)], src_v)
            pltpu.sync_copy(dst_hbm.at[pl.ds(off, C)], dst_v)
            pltpu.async_copy(g_hbm.at[src_v], rows_v, sem).wait()
            pltpu.sync_copy(rows_v, acc_sh.at[dst_v], add=True)

        plsc.subcore_barrier()
        pltpu.sync_copy(
            acc_sh.at[pl.ds(sid * rows_per_tile, rows_per_tile)],
            out_hbm.at[cid].at[pl.ds(sid * rows_per_tile, rows_per_tile)])

    return k(g, src, dst)


def _sc_degree(dst, n_pad, chunks_per_w):
    mesh = plsc.VectorSubcoreMesh(core_axis_name="c", subcore_axis_name="s")
    rows_per_tile = n_pad // NS

    @functools.partial(
        pl.kernel,
        out_type=jax.ShapeDtypeStruct((NC, n_pad, D), jnp.float32),
        mesh=mesh,
        scratch_types=[
            pltpu.VMEM((C,), jnp.int32),
            pltpu.VMEM((C, D), jnp.float32),
            pltpu.VMEM((rows_per_tile, D), jnp.float32),
            pltpu.VMEM_SHARED((n_pad, D), jnp.float32),
        ],
        compiler_params=_SC_PARAMS,
    )
    def k(dst_hbm, out_hbm, dst_v, ones_v, zero_v, acc_sh):
        cid = lax.axis_index("c")
        sid = lax.axis_index("s")
        wid = cid * NS + sid

        @pl.loop(0, rows_per_tile)
        def _(i):
            zero_v[i, :] = jnp.zeros((D,), jnp.float32)

        @pl.loop(0, C)
        def _(i):
            ones_v[i, :] = jnp.ones((D,), jnp.float32)

        pltpu.sync_copy(zero_v, acc_sh.at[pl.ds(sid * rows_per_tile,
                                                rows_per_tile)])
        plsc.subcore_barrier()

        base = wid * chunks_per_w

        @pl.loop(0, chunks_per_w)
        def _(ci):
            off = (base + ci) * C
            pltpu.sync_copy(dst_hbm.at[pl.ds(off, C)], dst_v)
            pltpu.sync_copy(ones_v, acc_sh.at[dst_v], add=True)

        plsc.subcore_barrier()
        pltpu.sync_copy(
            acc_sh.at[pl.ds(sid * rows_per_tile, rows_per_tile)],
            out_hbm.at[cid].at[pl.ds(sid * rows_per_tile, rows_per_tile)])

    return k(dst)


def _tc_matmul1(x, W1, n, n_pad):
    def body(x_ref, w_ref, o_ref):
        o_ref[0:n, :] = jnp.dot(x_ref[...], w_ref[...],
                                preferred_element_type=jnp.float32)
        o_ref[n:n_pad, :] = jnp.zeros((n_pad - n, D), jnp.float32)

    return pl.pallas_call(
        body,
        out_shape=jax.ShapeDtypeStruct((n_pad, D), jnp.float32),
    )(x, W1)


def _tc_norm(h1, degp, n, n_pad):
    def body(h_ref, d_ref, g_ref, dinv_ref):
        deg = d_ref[0] + d_ref[1] + 1.0
        dinv = lax.rsqrt(deg)
        dinv_ref[...] = dinv
        g_ref[...] = h_ref[...] * dinv

    return pl.pallas_call(
        body,
        out_shape=(jax.ShapeDtypeStruct((n_pad, D), jnp.float32),
                   jax.ShapeDtypeStruct((n_pad, D), jnp.float32)),
    )(h1, degp)


def _tc_mid(accp, g1, dinv, b1, W2, n, n_pad):
    def body(a_ref, g_ref, dinv_ref, b_ref, w_ref, o_ref):
        pre = dinv_ref[...] * (a_ref[0] + a_ref[1] + g_ref[...]) + b_ref[0:1, :]
        out1 = jnp.maximum(pre, 0.0)
        h2 = jnp.dot(out1, w_ref[...], preferred_element_type=jnp.float32)
        g2 = h2 * dinv_ref[...]
        o_ref[0:n, :] = g2[0:n, :]
        o_ref[n:n_pad, :] = jnp.zeros((n_pad - n, D), jnp.float32)

    return pl.pallas_call(
        body,
        out_shape=jax.ShapeDtypeStruct((n_pad, D), jnp.float32),
    )(accp, g1, dinv, b1, W2)


def _tc_final(accp, g2, dinv, b2, n):
    def body(a_ref, g_ref, dinv_ref, b_ref, o_ref):
        z = dinv_ref[...] * (a_ref[0] + a_ref[1] + g_ref[...]) + b_ref[0:1, :]
        z = z[0:n, :]
        m = jnp.max(z, axis=1, keepdims=True)
        s = z - m
        lse = jnp.log(jnp.sum(jnp.exp(s), axis=1, keepdims=True))
        o_ref[...] = s - lse

    return pl.pallas_call(
        body,
        out_shape=jax.ShapeDtypeStruct((n, D), jnp.float32),
    )(accp, g2, dinv, b2)


def kernel(x, edge_index, W1, b1, W2, b2):
    n = x.shape[0]
    e = edge_index.shape[1]
    n_pad = _pad_rows(n)

    e_pad = -(-e // (NW * C)) * (NW * C)
    chunks_per_w = e_pad // (NW * C)
    src = edge_index[0].astype(jnp.int32)
    dst = edge_index[1].astype(jnp.int32)
    if e_pad > e:
        pad_idx = (jnp.arange(e_pad - e, dtype=jnp.int32) % 8) + n
        src = jnp.concatenate([src, pad_idx])
        dst = jnp.concatenate([dst, pad_idx])

    b1r = b1.reshape(1, D)
    b2r = b2.reshape(1, D)

    degp = _sc_degree(dst, n_pad, chunks_per_w)
    h1 = _tc_matmul1(x, W1, n, n_pad)
    g1, dinv = _tc_norm(h1, degp, n, n_pad)
    acc1 = _sc_scatter_add(g1, src, dst, n_pad, chunks_per_w)
    g2 = _tc_mid(acc1, g1, dinv, b1r, W2, n, n_pad)
    acc2 = _sc_scatter_add(g2, src, dst, n_pad, chunks_per_w)
    return _tc_final(acc2, g2, dinv, b2r, n)

# --- scband reference (transcript-rebuilt; emitter-appended) ---
"""Pipeline reference for scband-gnn-56642028700327 (READ-ONLY COPY).

The authoritative reference and input builder live on the scoring server;
editing this copy changes nothing except your own understanding.
"""

import jax, jax.numpy as jnp
import numpy as np

N = 10000
E = 320000
D_IN = 128
D_HID = 16
D_OUT = 16


def setup_inputs(seed: int = 0) -> dict:
    key = jax.random.key(seed)
    k1, k2, k3, k4 = jax.random.split(key, 4)
    x = jax.random.normal(k1, (N, D_IN), dtype=jnp.float32)
    edge_index = jax.random.randint(k2, (2, E), 0, N).astype(jnp.int64)
    W1 = jax.random.normal(k3, (D_IN, D_HID), dtype=jnp.float32) * (1.0 / np.sqrt(D_IN))
    b1 = jnp.zeros((D_HID,), dtype=jnp.float32)
    W2 = jax.random.normal(k4, (D_HID, D_OUT), dtype=jnp.float32) * (1.0 / np.sqrt(D_HID))
    b2 = jnp.zeros((D_OUT,), dtype=jnp.float32)
    return {"x": x, "edge_index": edge_index, "W1": W1, "b1": b1, "W2": W2, "b2": b2}


def gcn_conv(x, edge_index, W, b):
    # Faithful GCNConv: add self-loops, symmetric D^-1/2 (A+I) D^-1/2 normalization,
    # linear transform, scatter-add message aggregation, bias.
    n = x.shape[0]
    loop = jnp.arange(n, dtype=edge_index.dtype)
    src = jnp.concatenate([edge_index[0], loop])
    dst = jnp.concatenate([edge_index[1], loop])
    deg = jnp.zeros((n,), dtype=x.dtype).at[dst].add(1.0)
    deg_inv_sqrt = jnp.where(deg > 0, jax.lax.rsqrt(jnp.maximum(deg, 1e-12)), 0.0)
    norm = deg_inv_sqrt[src] * deg_inv_sqrt[dst]
    h = x @ W
    msg = h[src] * norm[:, None]
    out = jnp.zeros((n, h.shape[1]), dtype=x.dtype).at[dst].add(msg)
    return out + b


def reference(x, edge_index, W1, b1, W2, b2):
    h = gcn_conv(x, edge_index, W1, b1)
    h = jax.nn.relu(h)
    out = gcn_conv(h, edge_index, W2, b2)
    return jax.nn.log_softmax(out, axis=1)

if __name__ == "__main__":
    import jax
    _d = setup_inputs()
    print(jax.jit(kernel)(*tuple(_d.values())))

</pallas_src>

<mosaic_0001>
#map = affine_map<(d0, d1) -> (0, 0)>
#map1 = affine_map<(d0, d1) -> (0)>
#map2 = affine_map<(d0, d1) -> (0, 0, 0)>
module attributes {stable_mosaic.version = 14 : i64} {
  func.func @k(%arg0: i32, %arg1: i32, %arg2: memref<10112x16xf32, #tpu.memory_space<hbm>>, %arg3: memref<323584xi32, #tpu.memory_space<hbm>>, %arg4: memref<323584xi32, #tpu.memory_space<hbm>>, %arg5: memref<2x10112x16xf32, #tpu.memory_space<hbm>>, %arg6: memref<128xi32, #tpu.memory_space<vmem>>, %arg7: memref<128xi32, #tpu.memory_space<vmem>>, %arg8: memref<128x16xf32, #tpu.memory_space<vmem>>, %arg9: memref<632x16xf32, #tpu.memory_space<vmem>>, %arg10: memref<10112x16xf32, #tpu.memory_space<vmem_shared>>, %arg11: memref<!tpu.dma_semaphore, #tpu.memory_space<semaphore_mem>>) attributes {dimension_semantics = [#tpu.dimension_semantics<core_parallel>, #tpu.dimension_semantics<subcore_parallel>], iteration_bounds = array<i64: 2, 16>, scalar_prefetch = 0 : i64, scratch_operands = 6 : i64, tpu.core_type = #tpu.core_type<sc_vector_subcore>, window_params = [{transform_indices = #map}, {transform_indices = #map1}, {transform_indices = #map1}, {transform_indices = #map2}]} {
    %mul3A = arith.constant 16 : i32
    %mul3A_0 = arith.muli %arg0, %mul3A : i32
    %add3A = arith.addi %mul3A_0, %arg1 : i32
    %scan3A = arith.constant 0 : i32
    %scan3A_1 = arith.constant 632 : i32
    %scan3A_2 = arith.addi %scan3A, %scan3A_1 : i32
    %scan3A_3 = arith.constant 1 : i32
    scf.for %scan3A_19 = %scan3A to %scan3A_2 step %scan3A_3  : i32 {
      %mul3A_20 = arith.constant 1 : i32
      %mul3A_21 = arith.muli %scan3A_19, %mul3A_20 : i32
      %add3A_22 = arith.constant 0 : i32
      %add3A_23 = arith.addi %add3A_22, %mul3A_21 : i32
      %broadcast_in_dim3A = arith.constant 0.000000e+00 : f32
      %broadcast_in_dim3A_24 = vector.broadcast %broadcast_in_dim3A : f32 to vector<16xf32>
      %swap3A = arith.index_cast %add3A_23 : i32 to index
      %swap3A_25 = arith.constant 0 : index
      %swap3A_26 = tpu.vector_load %arg9[%swap3A, %swap3A_25] {strides = array<i32>} : memref<632x16xf32, #tpu.memory_space<vmem>>, vector<1x16xf32>,
      %swap3A_27 = vector.shape_cast %swap3A_26 : vector<1x16xf32> to vector<16xf32>
      %swap3A_28 = vector.shape_cast %broadcast_in_dim3A_24 : vector<16xf32> to vector<1x16xf32>
      tpu.vector_store %arg9[%swap3A, %swap3A_25], %swap3A_28 {strides = array<i32>} : memref<632x16xf32, #tpu.memory_space<vmem>>, vector<1x16xf32>,
    }
    %scan3A_4 = arith.constant 632 : i32
    %mul3A_5 = arith.constant 632 : i32
    %mul3A_6 = arith.muli %arg1, %mul3A_5 : i32
    "tpu.region"() ({
      %run_scoped3A = tpu.sem_alloc : memref<!tpu.dma_semaphore, #tpu.memory_space<semaphore_mem>>
      %dma_start3A = arith.constant 0 : i32
      %dma_start3A_19 = tpu.memref_slice %arg10[%mul3A_6, %dma_start3A] : memref<10112x16xf32, #tpu.memory_space<vmem_shared>> -> memref<632x16xf32, #tpu.memory_space<vmem_shared>>
      %dma_start3A_20 = arith.constant 0 : i32
      %dma_start3A_21 = tpu.memref_slice %arg10[%mul3A_6, %dma_start3A_20] : memref<10112x16xf32, #tpu.memory_space<vmem_shared>> -> memref<632x16xf32, #tpu.memory_space<vmem_shared>>
      tpu.enqueue_dma source(%arg9 : memref<632x16xf32, #tpu.memory_space<vmem>>) target(%dma_start3A_21 : memref<632x16xf32, #tpu.memory_space<vmem_shared>>) target_semaphore(%run_scoped3A : memref<!tpu.dma_semaphore, #tpu.memory_space<semaphore_mem>>)
      %dma_wait3A = arith.constant 0 : i32
      %dma_wait3A_22 = tpu.memref_slice %arg10[%mul3A_6, %dma_wait3A] : memref<10112x16xf32, #tpu.memory_space<vmem_shared>> -> memref<632x16xf32, #tpu.memory_space<vmem_shared>>
      %dma_wait3A_23 = arith.constant 0 : i32
      %dma_wait3A_24 = tpu.memref_slice %arg10[%mul3A_6, %dma_wait3A_23] : memref<10112x16xf32, #tpu.memory_space<vmem_shared>> -> memref<632x16xf32, #tpu.memory_space<vmem_shared>>
      tpu.wait_dma2 semaphore(%run_scoped3A : memref<!tpu.dma_semaphore, #tpu.memory_space<semaphore_mem>>) src(%arg9 : memref<632x16xf32, #tpu.memory_space<vmem>>) dst(%dma_wait3A_24 : memref<632x16xf32, #tpu.memory_space<vmem_shared>>)
      tpu.yield
    }) : () -> ()
    %barrier3A = arith.constant 0 : index
    tpu.barrier barrier_id(%barrier3A)
    %mul3A_7 = arith.constant 79 : i32
    %mul3A_8 = arith.muli %add3A, %mul3A_7 : i32
    %scan3A_9 = arith.constant 0 : i32
    %scan3A_10 = arith.constant 79 : i32
    %scan3A_11 = arith.addi %scan3A_9, %scan3A_10 : i32
    %scan3A_12 = arith.constant 1 : i32
    scf.for %scan3A_19 = %scan3A_9 to %scan3A_11 step %scan3A_12  : i32 {
      %mul3A_20 = arith.constant 1 : i32
      %mul3A_21 = arith.muli %scan3A_19, %mul3A_20 : i32
      %add3A_22 = arith.constant 0 : i32
      %add3A_23 = arith.addi %add3A_22, %mul3A_21 : i32
      %add3A_24 = arith.addi %mul3A_8, %add3A_23 : i32
      %mul3A_25 = arith.constant 128 : i32
      %mul3A_26 = arith.muli %add3A_24, %mul3A_25 : i32
      "tpu.region"() ({
        %run_scoped3A = tpu.sem_alloc : memref<!tpu.dma_semaphore, #tpu.memory_space<semaphore_mem>>
        %dma_start3A_31 = tpu.memref_slice %arg3[%mul3A_26] : memref<323584xi32, #tpu.memory_space<hbm>> -> memref<128xi32, #tpu.memory_space<hbm>>
        %dma_start3A_32 = tpu.memref_slice %arg3[%mul3A_26] : memref<323584xi32, #tpu.memory_space<hbm>> -> memref<128xi32, #tpu.memory_space<hbm>>
        tpu.enqueue_dma source(%dma_start3A_32 : memref<128xi32, #tpu.memory_space<hbm>>) target(%arg6 : memref<128xi32, #tpu.memory_space<vmem>>) target_semaphore(%run_scoped3A : memref<!tpu.dma_semaphore, #tpu.memory_space<semaphore_mem>>)
        %dma_wait3A_33 = tpu.memref_slice %arg3[%mul3A_26] : memref<323584xi32, #tpu.memory_space<hbm>> -> memref<128xi32, #tpu.memory_space<hbm>>
        %dma_wait3A_34 = tpu.memref_slice %arg3[%mul3A_26] : memref<323584xi32, #tpu.memory_space<hbm>> -> memref<128xi32, #tpu.memory_space<hbm>>
        tpu.wait_dma2 semaphore(%run_scoped3A : memref<!tpu.dma_semaphore, #tpu.memory_space<semaphore_mem>>) src(%dma_wait3A_34 : memref<128xi32, #tpu.memory_space<hbm>>) dst(%arg6 : memref<128xi32, #tpu.memory_space<vmem>>)
        tpu.yield
      }) : () -> ()
      "tpu.region"() ({
        %run_scoped3A = tpu.sem_alloc : memref<!tpu.dma_semaphore, #tpu.memory_space<semaphore_mem>>
        %dma_start3A_31 = tpu.memref_slice %arg4[%mul3A_26] : memref<323584xi32, #tpu.memory_space<hbm>> -> memref<128xi32, #tpu.memory_space<hbm>>
        %dma_start3A_32 = tpu.memref_slice %arg4[%mul3A_26] : memref<323584xi32, #tpu.memory_space<hbm>> -> memref<128xi32, #tpu.memory_space<hbm>>
        tpu.enqueue_dma source(%dma_start3A_32 : memref<128xi32, #tpu.memory_space<hbm>>) target(%arg7 : memref<128xi32, #tpu.memory_space<vmem>>) target_semaphore(%run_scoped3A : memref<!tpu.dma_semaphore, #tpu.memory_space<semaphore_mem>>)
        %dma_wait3A_33 = tpu.memref_slice %arg4[%mul3A_26] : memref<323584xi32, #tpu.memory_space<hbm>> -> memref<128xi32, #tpu.memory_space<hbm>>
        %dma_wait3A_34 = tpu.memref_slice %arg4[%mul3A_26] : memref<323584xi32, #tpu.memory_space<hbm>> -> memref<128xi32, #tpu.memory_space<hbm>>
        tpu.wait_dma2 semaphore(%run_scoped3A : memref<!tpu.dma_semaphore, #tpu.memory_space<semaphore_mem>>) src(%dma_wait3A_34 : memref<128xi32, #tpu.memory_space<hbm>>) dst(%arg7 : memref<128xi32, #tpu.memory_space<vmem>>)
        tpu.yield
      }) : () -> ()
      %dma_start3A = arith.constant 0 : i32
      %dma_start3A_27 = arith.constant 0 : i32
      %dma_start3A_28 = tpu.memref_slice %arg2[%dma_start3A, %dma_start3A_27] : memref<10112x16xf32, #tpu.memory_space<hbm>> -> memref<10112x16xf32, #tpu.memory_space<hbm>>
      tpu.enqueue_indirect_dma source(%dma_start3A_28 : memref<10112x16xf32, #tpu.memory_space<hbm>>) target(%arg8 : memref<128x16xf32, #tpu.memory_space<vmem>>) offsets(%arg6 : memref<128xi32, #tpu.memory_space<vmem>>) semaphore(%arg11 : memref<!tpu.dma_semaphore, #tpu.memory_space<semaphore_mem>>)
      %dma_wait3A = arith.constant 0 : i32
      %dma_wait3A_29 = arith.constant 0 : i32
      %dma_wait3A_30 = tpu.memref_slice %arg2[%dma_wait3A, %dma_wait3A_29] : memref<10112x16xf32, #tpu.memory_space<hbm>> -> memref<10112x16xf32, #tpu.memory_space<hbm>>
      tpu.wait_indirect_dma semaphore(%arg11 : memref<!tpu.dma_semaphore, #tpu.memory_space<semaphore_mem>>) src(%dma_wait3A_30 : memref<10112x16xf32, #tpu.memory_space<hbm>>) dst(%arg8 : memref<128x16xf32, #tpu.memory_space<vmem>>)
      "tpu.region"() ({
        %run_scoped3A = tpu.sem_alloc : memref<!tpu.dma_semaphore, #tpu.memory_space<semaphore_mem>>
        %dma_start3A_31 = arith.constant 0 : i32
        %dma_start3A_32 = arith.constant 0 : i32
        %dma_start3A_33 = tpu.memref_slice %arg10[%dma_start3A_31, %dma_start3A_32] : memref<10112x16xf32, #tpu.memory_space<vmem_shared>> -> memref<10112x16xf32, #tpu.memory_space<vmem_shared>>
        tpu.enqueue_indirect_dma source(%arg8 : memref<128x16xf32, #tpu.memory_space<vmem>>) target(%dma_start3A_33 : memref<10112x16xf32, #tpu.memory_space<vmem_shared>>) offsets(%arg7 : memref<128xi32, #tpu.memory_space<vmem>>) semaphore(%run_scoped3A : memref<!tpu.dma_semaphore, #tpu.memory_space<semaphore_mem>>) {add = true}
        %dma_wait3A_34 = arith.constant 0 : i32
        %dma_wait3A_35 = arith.constant 0 : i32
        %dma_wait3A_36 = tpu.memref_slice %arg10[%dma_wait3A_34, %dma_wait3A_35] : memref<10112x16xf32, #tpu.memory_space<vmem_shared>> -> memref<10112x16xf32, #tpu.memory_space<vmem_shared>>
        tpu.wait_indirect_dma semaphore(%run_scoped3A : memref<!tpu.dma_semaphore, #tpu.memory_space<semaphore_mem>>) src(%arg8 : memref<128x16xf32, #tpu.memory_space<vmem>>) dst(%dma_wait3A_36 : memref<10112x16xf32, #tpu.memory_space<vmem_shared>>)
        tpu.yield
      }) : () -> ()
    }
    %scan3A_13 = arith.constant 79 : i32
    %barrier3A_14 = arith.constant 0 : index
    tpu.barrier barrier_id(%barrier3A_14)
    %mul3A_15 = arith.constant 632 : i32
    %mul3A_16 = arith.muli %arg1, %mul3A_15 : i32
    %mul3A_17 = arith.constant 632 : i32
    %mul3A_18 = arith.muli %arg1, %mul3A_17 : i32
    "tpu.region"() ({
      %run_scoped3A = tpu.sem_alloc : memref<!tpu.dma_semaphore, #tpu.memory_space<semaphore_mem>>
      %dma_start3A = arith.constant 0 : i32
      %dma_start3A_19 = arith.constant 0 : i32
      %dma_start3A_20 = tpu.memref_slice %arg5[%arg0, %dma_start3A, %dma_start3A_19] : memref<2x10112x16xf32, #tpu.memory_space<hbm>> -> memref<1x10112x16xf32, #tpu.memory_space<hbm>>
      %dma_start3A_21 = tpu.memref_squeeze %dma_start3A_20 : memref<1x10112x16xf32, #tpu.memory_space<hbm>> -> memref<10112x16xf32, #tpu.memory_space<hbm>>
      %dma_start3A_22 = arith.constant 0 : i32
      %dma_start3A_23 = tpu.memref_slice %dma_start3A_21[%mul3A_18, %dma_start3A_22] : memref<10112x16xf32, #tpu.memory_space<hbm>> -> memref<632x16xf32, #tpu.memory_space<hbm>>
      %dma_start3A_24 = arith.constant 0 : i32
      %dma_start3A_25 = tpu.memref_slice %arg10[%mul3A_16, %dma_start3A_24] : memref<10112x16xf32, #tpu.memory_space<vmem_shared>> -> memref<632x16xf32, #tpu.memory_space<vmem_shared>>
      tpu.enqueue_dma source(%dma_start3A_25 : memref<632x16xf32, #tpu.memory_space<vmem_shared>>) target(%dma_start3A_23 : memref<632x16xf32, #tpu.memory_space<hbm>>) target_semaphore(%run_scoped3A : memref<!tpu.dma_semaphore, #tpu.memory_space<semaphore_mem>>)
      %dma_wait3A = arith.constant 0 : i32
      %dma_wait3A_26 = arith.constant 0 : i32
      %dma_wait3A_27 = tpu.memref_slice %arg5[%arg0, %dma_wait3A, %dma_wait3A_26] : memref<2x10112x16xf32, #tpu.memory_space<hbm>> -> memref<1x10112x16xf32, #tpu.memory_space<hbm>>
      %dma_wait3A_28 = tpu.memref_squeeze %dma_wait3A_27 : memref<1x10112x16xf32, #tpu.memory_space<hbm>> -> memref<10112x16xf32, #tpu.memory_space<hbm>>
      %dma_wait3A_29 = arith.constant 0 : i32
      %dma_wait3A_30 = tpu.memref_slice %dma_wait3A_28[%mul3A_18, %dma_wait3A_29] : memref<10112x16xf32, #tpu.memory_space<hbm>> -> memref<632x16xf32, #tpu.memory_space<hbm>>
      %dma_wait3A_31 = arith.constant 0 : i32
      %dma_wait3A_32 = tpu.memref_slice %arg10[%mul3A_16, %dma_wait3A_31] : memref<10112x16xf32, #tpu.memory_space<vmem_shared>> -> memref<632x16xf32, #tpu.memory_space<vmem_shared>>
      tpu.wait_dma2 semaphore(%run_scoped3A : memref<!tpu.dma_semaphore, #tpu.memory_space<semaphore_mem>>) src(%dma_wait3A_32 : memref<632x16xf32, #tpu.memory_space<vmem_shared>>) dst(%dma_wait3A_30 : memref<632x16xf32, #tpu.memory_space<hbm>>)
      tpu.yield
    }) : () -> ()
    return
  }
}

#map = affine_map<(d0, d1) -> (0)>
#map1 = affine_map<(d0, d1) -> (0, 0, 0)>
module attributes {stable_mosaic.version = 14 : i64} {
  func.func @k(%arg0: i32, %arg1: i32, %arg2: memref<323584xi32, #tpu.memory_space<hbm>>, %arg3: memref<2x10112x16xf32, #tpu.memory_space<hbm>>, %arg4: memref<128xi32, #tpu.memory_space<vmem>>, %arg5: memref<128x16xf32, #tpu.memory_space<vmem>>, %arg6: memref<632x16xf32, #tpu.memory_space<vmem>>, %arg7: memref<10112x16xf32, #tpu.memory_space<vmem_shared>>) attributes {dimension_semantics = [#tpu.dimension_semantics<core_parallel>, #tpu.dimension_semantics<subcore_parallel>], iteration_bounds = array<i64: 2, 16>, scalar_prefetch = 0 : i64, scratch_operands = 4 : i64, tpu.core_type = #tpu.core_type<sc_vector_subcore>, window_params = [{transform_indices = #map}, {transform_indices = #map1}]} {
    %mul3A = arith.constant 16 : i32
    %mul3A_0 = arith.muli %arg0, %mul3A : i32
    %add3A = arith.addi %mul3A_0, %arg1 : i32
    %scan3A = arith.constant 0 : i32
    %scan3A_1 = arith.constant 632 : i32
    %scan3A_2 = arith.addi %scan3A, %scan3A_1 : i32
    %scan3A_3 = arith.constant 1 : i32
    scf.for %scan3A_24 = %scan3A to %scan3A_2 step %scan3A_3  : i32 {
      %mul3A_25 = arith.constant 1 : i32
      %mul3A_26 = arith.muli %scan3A_24, %mul3A_25 : i32
      %add3A_27 = arith.constant 0 : i32
      %add3A_28 = arith.addi %add3A_27, %mul3A_26 : i32
      %broadcast_in_dim3A = arith.constant 0.000000e+00 : f32
      %broadcast_in_dim3A_29 = vector.broadcast %broadcast_in_dim3A : f32 to vector<16xf32>
      %swap3A = arith.index_cast %add3A_28 : i32 to index
      %swap3A_30 = arith.constant 0 : index
      %swap3A_31 = tpu.vector_load %arg6[%swap3A, %swap3A_30] {strides = array<i32>} : memref<632x16xf32, #tpu.memory_space<vmem>>, vector<1x16xf32>,
      %swap3A_32 = vector.shape_cast %swap3A_31 : vector<1x16xf32> to vector<16xf32>
      %swap3A_33 = vector.shape_cast %broadcast_in_dim3A_29 : vector<16xf32> to vector<1x16xf32>
      tpu.vector_store %arg6[%swap3A, %swap3A_30], %swap3A_33 {strides = array<i32>} : memref<632x16xf32, #tpu.memory_space<vmem>>, vector<1x16xf32>,
    }
    %scan3A_4 = arith.constant 632 : i32
    %scan3A_5 = arith.constant 0 : i32
    %scan3A_6 = arith.constant 128 : i32
    %scan3A_7 = arith.addi %scan3A_5, %scan3A_6 : i32
    %scan3A_8 = arith.constant 1 : i32
    scf.for %scan3A_24 = %scan3A_5 to %scan3A_7 step %scan3A_8  : i32 {
      %mul3A_25 = arith.constant 1 : i32
      %mul3A_26 = arith.muli %scan3A_24, %mul3A_25 : i32
      %add3A_27 = arith.constant 0 : i32
      %add3A_28 = arith.addi %add3A_27, %mul3A_26 : i32
      %broadcast_in_dim3A = arith.constant 1.000000e+00 : f32
      %broadcast_in_dim3A_29 = vector.broadcast %broadcast_in_dim3A : f32 to vector<16xf32>
      %swap3A = arith.index_cast %add3A_28 : i32 to index
      %swap3A_30 = arith.constant 0 : index
      %swap3A_31 = tpu.vector_load %arg5[%swap3A, %swap3A_30] {strides = array<i32>} : memref<128x16xf32, #tpu.memory_space<vmem>>, vector<1x16xf32>,
      %swap3A_32 = vector.shape_cast %swap3A_31 : vector<1x16xf32> to vector<16xf32>
      %swap3A_33 = vector.shape_cast %broadcast_in_dim3A_29 : vector<16xf32> to vector<1x16xf32>
      tpu.vector_store %arg5[%swap3A, %swap3A_30], %swap3A_33 {strides = array<i32>} : memref<128x16xf32, #tpu.memory_space<vmem>>, vector<1x16xf32>,
    }
    %scan3A_9 = arith.constant 128 : i32
    %mul3A_10 = arith.constant 632 : i32
    %mul3A_11 = arith.muli %arg1, %mul3A_10 : i32
    "tpu.region"() ({
      %run_scoped3A = tpu.sem_alloc : memref<!tpu.dma_semaphore, #tpu.memory_space<semaphore_mem>>
      %dma_start3A = arith.constant 0 : i32
      %dma_start3A_24 = tpu.memref_slice %arg7[%mul3A_11, %dma_start3A] : memref<10112x16xf32, #tpu.memory_space<vmem_shared>> -> memref<632x16xf32, #tpu.memory_space<vmem_shared>>
      %dma_start3A_25 = arith.constant 0 : i32
      %dma_start3A_26 = tpu.memref_slice %arg7[%mul3A_11, %dma_start3A_25] : memref<10112x16xf32, #tpu.memory_space<vmem_shared>> -> memref<632x16xf32, #tpu.memory_space<vmem_shared>>
      tpu.enqueue_dma source(%arg6 : memref<632x16xf32, #tpu.memory_space<vmem>>) target(%dma_start3A_26 : memref<632x16xf32, #tpu.memory_space<vmem_shared>>) target_semaphore(%run_scoped3A : memref<!tpu.dma_semaphore, #tpu.memory_space<semaphore_mem>>)
      %dma_wait3A = arith.constant 0 : i32
      %dma_wait3A_27 = tpu.memref_slice %arg7[%mul3A_11, %dma_wait3A] : memref<10112x16xf32, #tpu.memory_space<vmem_shared>> -> memref<632x16xf32, #tpu.memory_space<vmem_shared>>
      %dma_wait3A_28 = arith.constant 0 : i32
      %dma_wait3A_29 = tpu.memref_slice %arg7[%mul3A_11, %dma_wait3A_28] : memref<10112x16xf32, #tpu.memory_space<vmem_shared>> -> memref<632x16xf32, #tpu.memory_space<vmem_shared>>
      tpu.wait_dma2 semaphore(%run_scoped3A : memref<!tpu.dma_semaphore, #tpu.memory_space<semaphore_mem>>) src(%arg6 : memref<632x16xf32, #tpu.memory_space<vmem>>) dst(%dma_wait3A_29 : memref<632x16xf32, #tpu.memory_space<vmem_shared>>)
      tpu.yield
    }) : () -> ()
    %barrier3A = arith.constant 0 : index
    tpu.barrier barrier_id(%barrier3A)
    %mul3A_12 = arith.constant 79 : i32
    %mul3A_13 = arith.muli %add3A, %mul3A_12 : i32
    %scan3A_14 = arith.constant 0 : i32
    %scan3A_15 = arith.constant 79 : i32
    %scan3A_16 = arith.addi %scan3A_14, %scan3A_15 : i32
    %scan3A_17 = arith.constant 1 : i32
    scf.for %scan3A_24 = %scan3A_14 to %scan3A_16 step %scan3A_17  : i32 {
      %mul3A_25 = arith.constant 1 : i32
      %mul3A_26 = arith.muli %scan3A_24, %mul3A_25 : i32
      %add3A_27 = arith.constant 0 : i32
      %add3A_28 = arith.addi %add3A_27, %mul3A_26 : i32
      %add3A_29 = arith.addi %mul3A_13, %add3A_28 : i32
      %mul3A_30 = arith.constant 128 : i32
      %mul3A_31 = arith.muli %add3A_29, %mul3A_30 : i32
      "tpu.region"() ({
        %run_scoped3A = tpu.sem_alloc : memref<!tpu.dma_semaphore, #tpu.memory_space<semaphore_mem>>
        %dma_start3A = tpu.memref_slice %arg2[%mul3A_31] : memref<323584xi32, #tpu.memory_space<hbm>> -> memref<128xi32, #tpu.memory_space<hbm>>
        %dma_start3A_32 = tpu.memref_slice %arg2[%mul3A_31] : memref<323584xi32, #tpu.memory_space<hbm>> -> memref<128xi32, #tpu.memory_space<hbm>>
        tpu.enqueue_dma source(%dma_start3A_32 : memref<128xi32, #tpu.memory_space<hbm>>) target(%arg4 : memref<128xi32, #tpu.memory_space<vmem>>) target_semaphore(%run_scoped3A : memref<!tpu.dma_semaphore, #tpu.memory_space<semaphore_mem>>)
        %dma_wait3A = tpu.memref_slice %arg2[%mul3A_31] : memref<323584xi32, #tpu.memory_space<hbm>> -> memref<128xi32, #tpu.memory_space<hbm>>
        %dma_wait3A_33 = tpu.memref_slice %arg2[%mul3A_31] : memref<323584xi32, #tpu.memory_space<hbm>> -> memref<128xi32, #tpu.memory_space<hbm>>
        tpu.wait_dma2 semaphore(%run_scoped3A : memref<!tpu.dma_semaphore, #tpu.memory_space<semaphore_mem>>) src(%dma_wait3A_33 : memref<128xi32, #tpu.memory_space<hbm>>) dst(%arg4 : memref<128xi32, #tpu.memory_space<vmem>>)
        tpu.yield
      }) : () -> ()
      "tpu.region"() ({
        %run_scoped3A = tpu.sem_alloc : memref<!tpu.dma_semaphore, #tpu.memory_space<semaphore_mem>>
        %dma_start3A = arith.constant 0 : i32
        %dma_start3A_32 = arith.constant 0 : i32
        %dma_start3A_33 = tpu.memref_slice %arg7[%dma_start3A, %dma_start3A_32] : memref<10112x16xf32, #tpu.memory_space<vmem_shared>> -> memref<10112x16xf32, #tpu.memory_space<vmem_shared>>
        tpu.enqueue_indirect_dma source(%arg5 : memref<128x16xf32, #tpu.memory_space<vmem>>) target(%dma_start3A_33 : memref<10112x16xf32, #tpu.memory_space<vmem_shared>>) offsets(%arg4 : memref<128xi32, #tpu.memory_space<vmem>>) semaphore(%run_scoped3A : memref<!tpu.dma_semaphore, #tpu.memory_space<semaphore_mem>>) {add = true}
        %dma_wait3A = arith.constant 0 : i32
        %dma_wait3A_34 = arith.constant 0 : i32
        %dma_wait3A_35 = tpu.memref_slice %arg7[%dma_wait3A, %dma_wait3A_34] : memref<10112x16xf32, #tpu.memory_space<vmem_shared>> -> memref<10112x16xf32, #tpu.memory_space<vmem_shared>>
        tpu.wait_indirect_dma semaphore(%run_scoped3A : memref<!tpu.dma_semaphore, #tpu.memory_space<semaphore_mem>>) src(%arg5 : memref<128x16xf32, #tpu.memory_space<vmem>>) dst(%dma_wait3A_35 : memref<10112x16xf32, #tpu.memory_space<vmem_shared>>)
        tpu.yield
      }) : () -> ()
    }
    %scan3A_18 = arith.constant 79 : i32
    %barrier3A_19 = arith.constant 0 : index
    tpu.barrier barrier_id(%barrier3A_19)
    %mul3A_20 = arith.constant 632 : i32
    %mul3A_21 = arith.muli %arg1, %mul3A_20 : i32
    %mul3A_22 = arith.constant 632 : i32
    %mul3A_23 = arith.muli %arg1, %mul3A_22 : i32
    "tpu.region"() ({
      %run_scoped3A = tpu.sem_alloc : memref<!tpu.dma_semaphore, #tpu.memory_space<semaphore_mem>>
      %dma_start3A = arith.constant 0 : i32
      %dma_start3A_24 = arith.constant 0 : i32
      %dma_start3A_25 = tpu.memref_slice %arg3[%arg0, %dma_start3A, %dma_start3A_24] : memref<2x10112x16xf32, #tpu.memory_space<hbm>> -> memref<1x10112x16xf32, #tpu.memory_space<hbm>>
      %dma_start3A_26 = tpu.memref_squeeze %dma_start3A_25 : memref<1x10112x16xf32, #tpu.memory_space<hbm>> -> memref<10112x16xf32, #tpu.memory_space<hbm>>
      %dma_start3A_27 = arith.constant 0 : i32
      %dma_start3A_28 = tpu.memref_slice %dma_start3A_26[%mul3A_23, %dma_start3A_27] : memref<10112x16xf32, #tpu.memory_space<hbm>> -> memref<632x16xf32, #tpu.memory_space<hbm>>
      %dma_start3A_29 = arith.constant 0 : i32
      %dma_start3A_30 = tpu.memref_slice %arg7[%mul3A_21, %dma_start3A_29] : memref<10112x16xf32, #tpu.memory_space<vmem_shared>> -> memref<632x16xf32, #tpu.memory_space<vmem_shared>>
      tpu.enqueue_dma source(%dma_start3A_30 : memref<632x16xf32, #tpu.memory_space<vmem_shared>>) target(%dma_start3A_28 : memref<632x16xf32, #tpu.memory_space<hbm>>) target_semaphore(%run_scoped3A : memref<!tpu.dma_semaphore, #tpu.memory_space<semaphore_mem>>)
      %dma_wait3A = arith.constant 0 : i32
      %dma_wait3A_31 = arith.constant 0 : i32
      %dma_wait3A_32 = tpu.memref_slice %arg3[%arg0, %dma_wait3A, %dma_wait3A_31] : memref<2x10112x16xf32, #tpu.memory_space<hbm>> -> memref<1x10112x16xf32, #tpu.memory_space<hbm>>
      %dma_wait3A_33 = tpu.memref_squeeze %dma_wait3A_32 : memref<1x10112x16xf32, #tpu.memory_space<hbm>> -> memref<10112x16xf32, #tpu.memory_space<hbm>>
      %dma_wait3A_34 = arith.constant 0 : i32
      %dma_wait3A_35 = tpu.memref_slice %dma_wait3A_33[%mul3A_23, %dma_wait3A_34] : memref<10112x16xf32, #tpu.memory_space<hbm>> -> memref<632x16xf32, #tpu.memory_space<hbm>>
      %dma_wait3A_36 = arith.constant 0 : i32
      %dma_wait3A_37 = tpu.memref_slice %arg7[%mul3A_21, %dma_wait3A_36] : memref<10112x16xf32, #tpu.memory_space<vmem_shared>> -> memref<632x16xf32, #tpu.memory_space<vmem_shared>>
      tpu.wait_dma2 semaphore(%run_scoped3A : memref<!tpu.dma_semaphore, #tpu.memory_space<semaphore_mem>>) src(%dma_wait3A_37 : memref<632x16xf32, #tpu.memory_space<vmem_shared>>) dst(%dma_wait3A_35 : memref<632x16xf32, #tpu.memory_space<hbm>>)
      tpu.yield
    }) : () -> ()
    return
  }
}

#map = affine_map<(d0, d1) -> (0, 0)>
#map1 = affine_map<(d0, d1) -> (0)>
#map2 = affine_map<(d0, d1) -> (0, 0, 0)>
module attributes {stable_mosaic.version = 14 : i64} {
  func.func @k(%arg0: i32, %arg1: i32, %arg2: memref<10112x16xf32, #tpu.memory_space<hbm>>, %arg3: memref<323584xi32, #tpu.memory_space<hbm>>, %arg4: memref<323584xi32, #tpu.memory_space<hbm>>, %arg5: memref<2x10112x16xf32, #tpu.memory_space<hbm>>, %arg6: memref<128xi32, #tpu.memory_space<vmem>>, %arg7: memref<128xi32, #tpu.memory_space<vmem>>, %arg8: memref<128x16xf32, #tpu.memory_space<vmem>>, %arg9: memref<632x16xf32, #tpu.memory_space<vmem>>, %arg10: memref<10112x16xf32, #tpu.memory_space<vmem_shared>>, %arg11: memref<!tpu.dma_semaphore, #tpu.memory_space<semaphore_mem>>) attributes {dimension_semantics = [#tpu.dimension_semantics<core_parallel>, #tpu.dimension_semantics<subcore_parallel>], iteration_bounds = array<i64: 2, 16>, scalar_prefetch = 0 : i64, scratch_operands = 6 : i64, tpu.core_type = #tpu.core_type<sc_vector_subcore>, window_params = [{transform_indices = #map}, {transform_indices = #map1}, {transform_indices = #map1}, {transform_indices = #map2}]} {
    %mul3A = arith.constant 16 : i32
    %mul3A_0 = arith.muli %arg0, %mul3A : i32
    %add3A = arith.addi %mul3A_0, %arg1 : i32
    %scan3A = arith.constant 0 : i32
    %scan3A_1 = arith.constant 632 : i32
    %scan3A_2 = arith.addi %scan3A, %scan3A_1 : i32
    %scan3A_3 = arith.constant 1 : i32
    scf.for %scan3A_19 = %scan3A to %scan3A_2 step %scan3A_3  : i32 {
      %mul3A_20 = arith.constant 1 : i32
      %mul3A_21 = arith.muli %scan3A_19, %mul3A_20 : i32
      %add3A_22 = arith.constant 0 : i32
      %add3A_23 = arith.addi %add3A_22, %mul3A_21 : i32
      %broadcast_in_dim3A = arith.constant 0.000000e+00 : f32
      %broadcast_in_dim3A_24 = vector.broadcast %broadcast_in_dim3A : f32 to vector<16xf32>
      %swap3A = arith.index_cast %add3A_23 : i32 to index
      %swap3A_25 = arith.constant 0 : index
      %swap3A_26 = tpu.vector_load %arg9[%swap3A, %swap3A_25] {strides = array<i32>} : memref<632x16xf32, #tpu.memory_space<vmem>>, vector<1x16xf32>,
      %swap3A_27 = vector.shape_cast %swap3A_26 : vector<1x16xf32> to vector<16xf32>
      %swap3A_28 = vector.shape_cast %broadcast_in_dim3A_24 : vector<16xf32> to vector<1x16xf32>
      tpu.vector_store %arg9[%swap3A, %swap3A_25], %swap3A_28 {strides = array<i32>} : memref<632x16xf32, #tpu.memory_space<vmem>>, vector<1x16xf32>,
    }
    %scan3A_4 = arith.constant 632 : i32
    %mul3A_5 = arith.constant 632 : i32
    %mul3A_6 = arith.muli %arg1, %mul3A_5 : i32
    "tpu.region"() ({
      %run_scoped3A = tpu.sem_alloc : memref<!tpu.dma_semaphore, #tpu.memory_space<semaphore_mem>>
      %dma_start3A = arith.constant 0 : i32
      %dma_start3A_19 = tpu.memref_slice %arg10[%mul3A_6, %dma_start3A] : memref<10112x16xf32, #tpu.memory_space<vmem_shared>> -> memref<632x16xf32, #tpu.memory_space<vmem_shared>>
      %dma_start3A_20 = arith.constant 0 : i32
      %dma_start3A_21 = tpu.memref_slice %arg10[%mul3A_6, %dma_start3A_20] : memref<10112x16xf32, #tpu.memory_space<vmem_shared>> -> memref<632x16xf32, #tpu.memory_space<vmem_shared>>
      tpu.enqueue_dma source(%arg9 : memref<632x16xf32, #tpu.memory_space<vmem>>) target(%dma_start3A_21 : memref<632x16xf32, #tpu.memory_space<vmem_shared>>) target_semaphore(%run_scoped3A : memref<!tpu.dma_semaphore, #tpu.memory_space<semaphore_mem>>)
      %dma_wait3A = arith.constant 0 : i32
      %dma_wait3A_22 = tpu.memref_slice %arg10[%mul3A_6, %dma_wait3A] : memref<10112x16xf32, #tpu.memory_space<vmem_shared>> -> memref<632x16xf32, #tpu.memory_space<vmem_shared>>
      %dma_wait3A_23 = arith.constant 0 : i32
      %dma_wait3A_24 = tpu.memref_slice %arg10[%mul3A_6, %dma_wait3A_23] : memref<10112x16xf32, #tpu.memory_space<vmem_shared>> -> memref<632x16xf32, #tpu.memory_space<vmem_shared>>
      tpu.wait_dma2 semaphore(%run_scoped3A : memref<!tpu.dma_semaphore, #tpu.memory_space<semaphore_mem>>) src(%arg9 : memref<632x16xf32, #tpu.memory_space<vmem>>) dst(%dma_wait3A_24 : memref<632x16xf32, #tpu.memory_space<vmem_shared>>)
      tpu.yield
    }) : () -> ()
    %barrier3A = arith.constant 0 : index
    tpu.barrier barrier_id(%barrier3A)
    %mul3A_7 = arith.constant 79 : i32
    %mul3A_8 = arith.muli %add3A, %mul3A_7 : i32
    %scan3A_9 = arith.constant 0 : i32
    %scan3A_10 = arith.constant 79 : i32
    %scan3A_11 = arith.addi %scan3A_9, %scan3A_10 : i32
    %scan3A_12 = arith.constant 1 : i32
    scf.for %scan3A_19 = %scan3A_9 to %scan3A_11 step %scan3A_12  : i32 {
      %mul3A_20 = arith.constant 1 : i32
      %mul3A_21 = arith.muli %scan3A_19, %mul3A_20 : i32
      %add3A_22 = arith.constant 0 : i32
      %add3A_23 = arith.addi %add3A_22, %mul3A_21 : i32
      %add3A_24 = arith.addi %mul3A_8, %add3A_23 : i32
      %mul3A_25 = arith.constant 128 : i32
      %mul3A_26 = arith.muli %add3A_24, %mul3A_25 : i32
      "tpu.region"() ({
        %run_scoped3A = tpu.sem_alloc : memref<!tpu.dma_semaphore, #tpu.memory_space<semaphore_mem>>
        %dma_start3A_31 = tpu.memref_slice %arg3[%mul3A_26] : memref<323584xi32, #tpu.memory_space<hbm>> -> memref<128xi32, #tpu.memory_space<hbm>>
        %dma_start3A_32 = tpu.memref_slice %arg3[%mul3A_26] : memref<323584xi32, #tpu.memory_space<hbm>> -> memref<128xi32, #tpu.memory_space<hbm>>
        tpu.enqueue_dma source(%dma_start3A_32 : memref<128xi32, #tpu.memory_space<hbm>>) target(%arg6 : memref<128xi32, #tpu.memory_space<vmem>>) target_semaphore(%run_scoped3A : memref<!tpu.dma_semaphore, #tpu.memory_space<semaphore_mem>>)
        %dma_wait3A_33 = tpu.memref_slice %arg3[%mul3A_26] : memref<323584xi32, #tpu.memory_space<hbm>> -> memref<128xi32, #tpu.memory_space<hbm>>
        %dma_wait3A_34 = tpu.memref_slice %arg3[%mul3A_26] : memref<323584xi32, #tpu.memory_space<hbm>> -> memref<128xi32, #tpu.memory_space<hbm>>
        tpu.wait_dma2 semaphore(%run_scoped3A : memref<!tpu.dma_semaphore, #tpu.memory_space<semaphore_mem>>) src(%dma_wait3A_34 : memref<128xi32, #tpu.memory_space<hbm>>) dst(%arg6 : memref<128xi32, #tpu.memory_space<vmem>>)
        tpu.yield
      }) : () -> ()
      "tpu.region"() ({
        %run_scoped3A = tpu.sem_alloc : memref<!tpu.dma_semaphore, #tpu.memory_space<semaphore_mem>>
        %dma_start3A_31 = tpu.memref_slice %arg4[%mul3A_26] : memref<323584xi32, #tpu.memory_space<hbm>> -> memref<128xi32, #tpu.memory_space<hbm>>
        %dma_start3A_32 = tpu.memref_slice %arg4[%mul3A_26] : memref<323584xi32, #tpu.memory_space<hbm>> -> memref<128xi32, #tpu.memory_space<hbm>>
        tpu.enqueue_dma source(%dma_start3A_32 : memref<128xi32, #tpu.memory_space<hbm>>) target(%arg7 : memref<128xi32, #tpu.memory_space<vmem>>) target_semaphore(%run_scoped3A : memref<!tpu.dma_semaphore, #tpu.memory_space<semaphore_mem>>)
        %dma_wait3A_33 = tpu.memref_slice %arg4[%mul3A_26] : memref<323584xi32, #tpu.memory_space<hbm>> -> memref<128xi32, #tpu.memory_space<hbm>>
        %dma_wait3A_34 = tpu.memref_slice %arg4[%mul3A_26] : memref<323584xi32, #tpu.memory_space<hbm>> -> memref<128xi32, #tpu.memory_space<hbm>>
        tpu.wait_dma2 semaphore(%run_scoped3A : memref<!tpu.dma_semaphore, #tpu.memory_space<semaphore_mem>>) src(%dma_wait3A_34 : memref<128xi32, #tpu.memory_space<hbm>>) dst(%arg7 : memref<128xi32, #tpu.memory_space<vmem>>)
        tpu.yield
      }) : () -> ()
      %dma_start3A = arith.constant 0 : i32
      %dma_start3A_27 = arith.constant 0 : i32
      %dma_start3A_28 = tpu.memref_slice %arg2[%dma_start3A, %dma_start3A_27] : memref<10112x16xf32, #tpu.memory_space<hbm>> -> memref<10112x16xf32, #tpu.memory_space<hbm>>
      tpu.enqueue_indirect_dma source(%dma_start3A_28 : memref<10112x16xf32, #tpu.memory_space<hbm>>) target(%arg8 : memref<128x16xf32, #tpu.memory_space<vmem>>) offsets(%arg6 : memref<128xi32, #tpu.memory_space<vmem>>) semaphore(%arg11 : memref<!tpu.dma_semaphore, #tpu.memory_space<semaphore_mem>>)
      %dma_wait3A = arith.constant 0 : i32
      %dma_wait3A_29 = arith.constant 0 : i32
      %dma_wait3A_30 = tpu.memref_slice %arg2[%dma_wait3A, %dma_wait3A_29] : memref<10112x16xf32, #tpu.memory_space<hbm>> -> memref<10112x16xf32, #tpu.memory_space<hbm>>
      tpu.wait_indirect_dma semaphore(%arg11 : memref<!tpu.dma_semaphore, #tpu.memory_space<semaphore_mem>>) src(%dma_wait3A_30 : memref<10112x16xf32, #tpu.memory_space<hbm>>) dst(%arg8 : memref<128x16xf32, #tpu.memory_space<vmem>>)
      "tpu.region"() ({
        %run_scoped3A = tpu.sem_alloc : memref<!tpu.dma_semaphore, #tpu.memory_space<semaphore_mem>>
        %dma_start3A_31 = arith.constant 0 : i32
        %dma_start3A_32 = arith.constant 0 : i32
        %dma_start3A_33 = tpu.memref_slice %arg10[%dma_start3A_31, %dma_start3A_32] : memref<10112x16xf32, #tpu.memory_space<vmem_shared>> -> memref<10112x16xf32, #tpu.memory_space<vmem_shared>>
        tpu.enqueue_indirect_dma source(%arg8 : memref<128x16xf32, #tpu.memory_space<vmem>>) target(%dma_start3A_33 : memref<10112x16xf32, #tpu.memory_space<vmem_shared>>) offsets(%arg7 : memref<128xi32, #tpu.memory_space<vmem>>) semaphore(%run_scoped3A : memref<!tpu.dma_semaphore, #tpu.memory_space<semaphore_mem>>) {add = true}
        %dma_wait3A_34 = arith.constant 0 : i32
        %dma_wait3A_35 = arith.constant 0 : i32
        %dma_wait3A_36 = tpu.memref_slice %arg10[%dma_wait3A_34, %dma_wait3A_35] : memref<10112x16xf32, #tpu.memory_space<vmem_shared>> -> memref<10112x16xf32, #tpu.memory_space<vmem_shared>>
        tpu.wait_indirect_dma semaphore(%run_scoped3A : memref<!tpu.dma_semaphore, #tpu.memory_space<semaphore_mem>>) src(%arg8 : memref<128x16xf32, #tpu.memory_space<vmem>>) dst(%dma_wait3A_36 : memref<10112x16xf32, #tpu.memory_space<vmem_shared>>)
        tpu.yield
      }) : () -> ()
    }
    %scan3A_13 = arith.constant 79 : i32
    %barrier3A_14 = arith.constant 0 : index
    tpu.barrier barrier_id(%barrier3A_14)
    %mul3A_15 = arith.constant 632 : i32
    %mul3A_16 = arith.muli %arg1, %mul3A_15 : i32
    %mul3A_17 = arith.constant 632 : i32
    %mul3A_18 = arith.muli %arg1, %mul3A_17 : i32
    "tpu.region"() ({
      %run_scoped3A = tpu.sem_alloc : memref<!tpu.dma_semaphore, #tpu.memory_space<semaphore_mem>>
      %dma_start3A = arith.constant 0 : i32
      %dma_start3A_19 = arith.constant 0 : i32
      %dma_start3A_20 = tpu.memref_slice %arg5[%arg0, %dma_start3A, %dma_start3A_19] : memref<2x10112x16xf32, #tpu.memory_space<hbm>> -> memref<1x10112x16xf32, #tpu.memory_space<hbm>>
      %dma_start3A_21 = tpu.memref_squeeze %dma_start3A_20 : memref<1x10112x16xf32, #tpu.memory_space<hbm>> -> memref<10112x16xf32, #tpu.memory_space<hbm>>
      %dma_start3A_22 = arith.constant 0 : i32
      %dma_start3A_23 = tpu.memref_slice %dma_start3A_21[%mul3A_18, %dma_start3A_22] : memref<10112x16xf32, #tpu.memory_space<hbm>> -> memref<632x16xf32, #tpu.memory_space<hbm>>
      %dma_start3A_24 = arith.constant 0 : i32
      %dma_start3A_25 = tpu.memref_slice %arg10[%mul3A_16, %dma_start3A_24] : memref<10112x16xf32, #tpu.memory_space<vmem_shared>> -> memref<632x16xf32, #tpu.memory_space<vmem_shared>>
      tpu.enqueue_dma source(%dma_start3A_25 : memref<632x16xf32, #tpu.memory_space<vmem_shared>>) target(%dma_start3A_23 : memref<632x16xf32, #tpu.memory_space<hbm>>) target_semaphore(%run_scoped3A : memref<!tpu.dma_semaphore, #tpu.memory_space<semaphore_mem>>)
      %dma_wait3A = arith.constant 0 : i32
      %dma_wait3A_26 = arith.constant 0 : i32
      %dma_wait3A_27 = tpu.memref_slice %arg5[%arg0, %dma_wait3A, %dma_wait3A_26] : memref<2x10112x16xf32, #tpu.memory_space<hbm>> -> memref<1x10112x16xf32, #tpu.memory_space<hbm>>
      %dma_wait3A_28 = tpu.memref_squeeze %dma_wait3A_27 : memref<1x10112x16xf32, #tpu.memory_space<hbm>> -> memref<10112x16xf32, #tpu.memory_space<hbm>>
      %dma_wait3A_29 = arith.constant 0 : i32
      %dma_wait3A_30 = tpu.memref_slice %dma_wait3A_28[%mul3A_18, %dma_wait3A_29] : memref<10112x16xf32, #tpu.memory_space<hbm>> -> memref<632x16xf32, #tpu.memory_space<hbm>>
      %dma_wait3A_31 = arith.constant 0 : i32
      %dma_wait3A_32 = tpu.memref_slice %arg10[%mul3A_16, %dma_wait3A_31] : memref<10112x16xf32, #tpu.memory_space<vmem_shared>> -> memref<632x16xf32, #tpu.memory_space<vmem_shared>>
      tpu.wait_dma2 semaphore(%run_scoped3A : memref<!tpu.dma_semaphore, #tpu.memory_space<semaphore_mem>>) src(%dma_wait3A_32 : memref<632x16xf32, #tpu.memory_space<vmem_shared>>) dst(%dma_wait3A_30 : memref<632x16xf32, #tpu.memory_space<hbm>>)
      tpu.yield
    }) : () -> ()
    return
  }
}

module attributes {stable_mosaic.version = 14 : i64} {
  func.func @body(%arg0: memref<10000x128xf32, #tpu.memory_space<vmem>>, %arg1: memref<128x16xf32, #tpu.memory_space<vmem>>, %arg2: memref<10112x16xf32, #tpu.memory_space<vmem>>) attributes {dimension_semantics = [], scalar_prefetch = 0 : i64, scratch_operands = 0 : i64, tpu.core_type = #tpu.core_type<tc>} {
    %get3A = arith.constant 0 : index
    %get3A_0 = arith.constant 0 : index
    %get3A_1 = vector.load %arg0[%get3A, %get3A_0] : memref<10000x128xf32, #tpu.memory_space<vmem>>, vector<10000x128xf32>
    %get3A_2 = arith.constant 0 : index
    %get3A_3 = arith.constant 0 : index
    %get3A_4 = vector.load %arg1[%get3A_2, %get3A_3] : memref<128x16xf32, #tpu.memory_space<vmem>>, vector<128x16xf32>
    %dot_general3A = arith.constant dense<0.000000e+00> : vector<10000x16xf32>
    %dot_general3A_5 = tpu.matmul %get3A_1, %get3A_4, %dot_general3A {dimension_numbers = #tpu.dot_dimension_numbers<[1], [0], [0], [1], [0, 0, 1, 1], [], []>, transpose_lhs_hint = false} : vector<10000x128xf32>, vector<128x16xf32>, vector<10000x16xf32> -> vector<10000x16xf32>
    %swap3A = arith.constant 0 : index
    %swap3A_6 = arith.constant 0 : index
    %swap3A_7 = vector.load %arg2[%swap3A, %swap3A_6] : memref<10112x16xf32, #tpu.memory_space<vmem>>, vector<10000x16xf32>
    tpu.vector_store %arg2[%swap3A, %swap3A_6], %dot_general3A_5 {strides = array<i32>} : memref<10112x16xf32, #tpu.memory_space<vmem>>, vector<10000x16xf32>,
    %broadcast_in_dim3A = arith.constant 0.000000e+00 : f32
    %broadcast_in_dim3A_8 = vector.broadcast %broadcast_in_dim3A : f32 to vector<112x16xf32>
    %swap3A_9 = arith.constant 10000 : index
    %swap3A_10 = arith.constant 0 : index
    %swap3A_11 = vector.load %arg2[%swap3A_9, %swap3A_10] : memref<10112x16xf32, #tpu.memory_space<vmem>>, vector<112x16xf32>
    tpu.vector_store %arg2[%swap3A_9, %swap3A_10], %broadcast_in_dim3A_8 {strides = array<i32>} : memref<10112x16xf32, #tpu.memory_space<vmem>>, vector<112x16xf32>,
    return
  }
}

module attributes {stable_mosaic.version = 14 : i64} {
  func.func @body(%arg0: memref<10112x16xf32, #tpu.memory_space<vmem>>, %arg1: memref<2x10112x16xf32, #tpu.memory_space<vmem>>, %arg2: memref<10112x16xf32, #tpu.memory_space<vmem>>, %arg3: memref<10112x16xf32, #tpu.memory_space<vmem>>) attributes {dimension_semantics = [], scalar_prefetch = 0 : i64, scratch_operands = 0 : i64, tpu.core_type = #tpu.core_type<tc>} {
    %get3A = arith.constant 0 : index
    %get3A_0 = arith.constant 0 : index
    %get3A_1 = arith.constant 0 : index
    %get3A_2 = vector.load %arg1[%get3A, %get3A_0, %get3A_1] : memref<2x10112x16xf32, #tpu.memory_space<vmem>>, vector<1x10112x16xf32>
    %get3A_3 = vector.shape_cast %get3A_2 : vector<1x10112x16xf32> to vector<10112x16xf32>
    %get3A_4 = arith.constant 1 : index
    %get3A_5 = arith.constant 0 : index
    %get3A_6 = arith.constant 0 : index
    %get3A_7 = vector.load %arg1[%get3A_4, %get3A_5, %get3A_6] : memref<2x10112x16xf32, #tpu.memory_space<vmem>>, vector<1x10112x16xf32>
    %get3A_8 = vector.shape_cast %get3A_7 : vector<1x10112x16xf32> to vector<10112x16xf32>
    %add3A = arith.addf %get3A_3, %get3A_8 : vector<10112x16xf32>
    %add3A_9 = arith.constant 1.000000e+00 : f32
    %add3A_10 = vector.broadcast %add3A_9 : f32 to vector<10112x16xf32>
    %add3A_11 = arith.addf %add3A, %add3A_10 : vector<10112x16xf32>
    %rsqrt3A = math.rsqrt %add3A_11 : vector<10112x16xf32>
    %swap3A = arith.constant 0 : index
    %swap3A_12 = arith.constant 0 : index
    %swap3A_13 = vector.load %arg3[%swap3A, %swap3A_12] : memref<10112x16xf32, #tpu.memory_space<vmem>>, vector<10112x16xf32>
    tpu.vector_store %arg3[%swap3A, %swap3A_12], %rsqrt3A {strides = array<i32>} : memref<10112x16xf32, #tpu.memory_space<vmem>>, vector<10112x16xf32>,
    %get3A_14 = arith.constant 0 : index
    %get3A_15 = arith.constant 0 : index
    %get3A_16 = vector.load %arg0[%get3A_14, %get3A_15] : memref<10112x16xf32, #tpu.memory_space<vmem>>, vector<10112x16xf32>
    %mul3A = arith.mulf %get3A_16, %rsqrt3A : vector<10112x16xf32>
    %swap3A_17 = arith.constant 0 : index
    %swap3A_18 = arith.constant 0 : index
    %swap3A_19 = vector.load %arg2[%swap3A_17, %swap3A_18] : memref<10112x16xf32, #tpu.memory_space<vmem>>, vector<10112x16xf32>
    tpu.vector_store %arg2[%swap3A_17, %swap3A_18], %mul3A {strides = array<i32>} : memref<10112x16xf32, #tpu.memory_space<vmem>>, vector<10112x16xf32>,
    return
  }
}

module attributes {stable_mosaic.version = 14 : i64} {
  func.func @body(%arg0: memref<2x10112x16xf32, #tpu.memory_space<vmem>>, %arg1: memref<10112x16xf32, #tpu.memory_space<vmem>>, %arg2: memref<10112x16xf32, #tpu.memory_space<vmem>>, %arg3: memref<1x16xf32, #tpu.memory_space<vmem>>, %arg4: memref<16x16xf32, #tpu.memory_space<vmem>>, %arg5: memref<10112x16xf32, #tpu.memory_space<vmem>>) attributes {dimension_semantics = [], scalar_prefetch = 0 : i64, scratch_operands = 0 : i64, tpu.core_type = #tpu.core_type<tc>} {
    %get3A = arith.constant 0 : index
    %get3A_0 = arith.constant 0 : index
    %get3A_1 = vector.load %arg2[%get3A, %get3A_0] : memref<10112x16xf32, #tpu.memory_space<vmem>>, vector<10112x16xf32>
    %get3A_2 = arith.constant 0 : index
    %get3A_3 = arith.constant 0 : index
    %get3A_4 = arith.constant 0 : index
    %get3A_5 = vector.load %arg0[%get3A_2, %get3A_3, %get3A_4] : memref<2x10112x16xf32, #tpu.memory_space<vmem>>, vector<1x10112x16xf32>
    %get3A_6 = vector.shape_cast %get3A_5 : vector<1x10112x16xf32> to vector<10112x16xf32>
    %get3A_7 = arith.constant 1 : index
    %get3A_8 = arith.constant 0 : index
    %get3A_9 = arith.constant 0 : index
    %get3A_10 = vector.load %arg0[%get3A_7, %get3A_8, %get3A_9] : memref<2x10112x16xf32, #tpu.memory_space<vmem>>, vector<1x10112x16xf32>
    %get3A_11 = vector.shape_cast %get3A_10 : vector<1x10112x16xf32> to vector<10112x16xf32>
    %add3A = arith.addf %get3A_6, %get3A_11 : vector<10112x16xf32>
    %get3A_12 = arith.constant 0 : index
    %get3A_13 = arith.constant 0 : index
    %get3A_14 = vector.load %arg1[%get3A_12, %get3A_13] : memref<10112x16xf32, #tpu.memory_space<vmem>>, vector<10112x16xf32>
    %add3A_15 = arith.addf %add3A, %get3A_14 : vector<10112x16xf32>
    %mul3A = arith.mulf %get3A_1, %add3A_15 : vector<10112x16xf32>
    %get3A_16 = arith.constant 0 : index
    %get3A_17 = arith.constant 0 : index
    %get3A_18 = vector.load %arg3[%get3A_16, %get3A_17] : memref<1x16xf32, #tpu.memory_space<vmem>>, vector<1x16xf32>
    %add3A_19 = vector.broadcast %get3A_18 : vector<1x16xf32> to vector<10112x16xf32>
    %add3A_20 = arith.addf %mul3A, %add3A_19 : vector<10112x16xf32>
    %max3A = arith.constant 0.000000e+00 : f32
    %max3A_21 = vector.broadcast %max3A : f32 to vector<10112x16xf32>
    %max3A_22 = arith.maximumf %add3A_20, %max3A_21 : vector<10112x16xf32>
    %get3A_23 = arith.constant 0 : index
    %get3A_24 = arith.constant 0 : index
    %get3A_25 = vector.load %arg4[%get3A_23, %get3A_24] : memref<16x16xf32, #tpu.memory_space<vmem>>, vector<16x16xf32>
    %dot_general3A = arith.constant dense<0.000000e+00> : vector<10112x16xf32>
    %dot_general3A_26 = tpu.matmul %max3A_22, %get3A_25, %dot_general3A {dimension_numbers = #tpu.dot_dimension_numbers<[1], [0], [0], [1], [0, 0, 1, 1], [], []>, transpose_lhs_hint = false} : vector<10112x16xf32>, vector<16x16xf32>, vector<10112x16xf32> -> vector<10112x16xf32>
    %get3A_27 = arith.constant 0 : index
    %get3A_28 = arith.constant 0 : index
    %get3A_29 = vector.load %arg2[%get3A_27, %get3A_28] : memref<10112x16xf32, #tpu.memory_space<vmem>>, vector<10112x16xf32>
    %mul3A_30 = arith.mulf %dot_general3A_26, %get3A_29 : vector<10112x16xf32>
    %slice3A = vector.extract_strided_slice %mul3A_30 {offsets = [0, 0], sizes = [10000, 16], strides = [1, 1]} : vector<10112x16xf32> to vector<10000x16xf32>
    %swap3A = arith.constant 0 : index
    %swap3A_31 = arith.constant 0 : index
    %swap3A_32 = vector.load %arg5[%swap3A, %swap3A_31] : memref<10112x16xf32, #tpu.memory_space<vmem>>, vector<10000x16xf32>
    tpu.vector_store %arg5[%swap3A, %swap3A_31], %slice3A {strides = array<i32>} : memref<10112x16xf32, #tpu.memory_space<vmem>>, vector<10000x16xf32>,
    %broadcast_in_dim3A = arith.constant 0.000000e+00 : f32
    %broadcast_in_dim3A_33 = vector.broadcast %broadcast_in_dim3A : f32 to vector<112x16xf32>
    %swap3A_34 = arith.constant 10000 : index
    %swap3A_35 = arith.constant 0 : index
    %swap3A_36 = vector.load %arg5[%swap3A_34, %swap3A_35] : memref<10112x16xf32, #tpu.memory_space<vmem>>, vector<112x16xf32>
    tpu.vector_store %arg5[%swap3A_34, %swap3A_35], %broadcast_in_dim3A_33 {strides = array<i32>} : memref<10112x16xf32, #tpu.memory_space<vmem>>, vector<112x16xf32>,
    return
  }
}

module attributes {stable_mosaic.version = 14 : i64} {
  func.func @body(%arg0: memref<2x10112x16xf32, #tpu.memory_space<vmem>>, %arg1: memref<10112x16xf32, #tpu.memory_space<vmem>>, %arg2: memref<10112x16xf32, #tpu.memory_space<vmem>>, %arg3: memref<1x16xf32, #tpu.memory_space<vmem>>, %arg4: memref<10000x16xf32, #tpu.memory_space<vmem>>) attributes {dimension_semantics = [], scalar_prefetch = 0 : i64, scratch_operands = 0 : i64, tpu.core_type = #tpu.core_type<tc>} {
    %get3A = arith.constant 0 : index
    %get3A_0 = arith.constant 0 : index
    %get3A_1 = vector.load %arg2[%get3A, %get3A_0] : memref<10112x16xf32, #tpu.memory_space<vmem>>, vector<10112x16xf32>
    %get3A_2 = arith.constant 0 : index
    %get3A_3 = arith.constant 0 : index
    %get3A_4 = arith.constant 0 : index
    %get3A_5 = vector.load %arg0[%get3A_2, %get3A_3, %get3A_4] : memref<2x10112x16xf32, #tpu.memory_space<vmem>>, vector<1x10112x16xf32>
    %get3A_6 = vector.shape_cast %get3A_5 : vector<1x10112x16xf32> to vector<10112x16xf32>
    %get3A_7 = arith.constant 1 : index
    %get3A_8 = arith.constant 0 : index
    %get3A_9 = arith.constant 0 : index
    %get3A_10 = vector.load %arg0[%get3A_7, %get3A_8, %get3A_9] : memref<2x10112x16xf32, #tpu.memory_space<vmem>>, vector<1x10112x16xf32>
    %get3A_11 = vector.shape_cast %get3A_10 : vector<1x10112x16xf32> to vector<10112x16xf32>
    %add3A = arith.addf %get3A_6, %get3A_11 : vector<10112x16xf32>
    %get3A_12 = arith.constant 0 : index
    %get3A_13 = arith.constant 0 : index
    %get3A_14 = vector.load %arg1[%get3A_12, %get3A_13] : memref<10112x16xf32, #tpu.memory_space<vmem>>, vector<10112x16xf32>
    %add3A_15 = arith.addf %add3A, %get3A_14 : vector<10112x16xf32>
    %mul3A = arith.mulf %get3A_1, %add3A_15 : vector<10112x16xf32>
    %get3A_16 = arith.constant 0 : index
    %get3A_17 = arith.constant 0 : index
    %get3A_18 = vector.load %arg3[%get3A_16, %get3A_17] : memref<1x16xf32, #tpu.memory_space<vmem>>, vector<1x16xf32>
    %add3A_19 = vector.broadcast %get3A_18 : vector<1x16xf32> to vector<10112x16xf32>
    %add3A_20 = arith.addf %mul3A, %add3A_19 : vector<10112x16xf32>
    %slice3A = vector.extract_strided_slice %add3A_20 {offsets = [0, 0], sizes = [10000, 16], strides = [1, 1]} : vector<10112x16xf32> to vector<10000x16xf32>
    %reduce_max3A = arith.constant dense<0xFF800000> : vector<10000xf32>
    %reduce_max3A_21 = vector.multi_reduction <maximumf>, %slice3A, %reduce_max3A [1] : vector<10000x16xf32> to vector<10000xf32>
    %broadcast_in_dim3A = vector.shape_cast %reduce_max3A_21 : vector<10000xf32> to vector<10000x1xf32>
    %sub3A = vector.broadcast %broadcast_in_dim3A : vector<10000x1xf32> to vector<10000x16xf32>
    %sub3A_22 = arith.subf %slice3A, %sub3A : vector<10000x16xf32>
    %exp3A = math.exp %sub3A_22 : vector<10000x16xf32>
    %reduce_sum3A = arith.constant dense<0.000000e+00> : vector<10000xf32>
    %reduce_sum3A_23 = vector.multi_reduction <add>, %exp3A, %reduce_sum3A [1] : vector<10000x16xf32> to vector<10000xf32>
    %broadcast_in_dim3A_24 = vector.shape_cast %reduce_sum3A_23 : vector<10000xf32> to vector<10000x1xf32>
    %log3A = math.log %broadcast_in_dim3A_24 : vector<10000x1xf32>
    %sub3A_25 = vector.broadcast %log3A : vector<10000x1xf32> to vector<10000x16xf32>
    %sub3A_26 = arith.subf %sub3A_22, %sub3A_25 : vector<10000x16xf32>
    %swap3A = arith.constant 0 : index
    %swap3A_27 = arith.constant 0 : index
    %swap3A_28 = vector.load %arg4[%swap3A, %swap3A_27] : memref<10000x16xf32, #tpu.memory_space<vmem>>, vector<10000x16xf32>
    tpu.vector_store %arg4[%swap3A, %swap3A_27], %sub3A_26 {strides = array<i32>} : memref<10000x16xf32, #tpu.memory_space<vmem>>, vector<10000x16xf32>,
    return
  }
}

</mosaic_0001>

<sc_bundles>
// kernel: kernel.12.cloned.1.call-start
scs
__scs_entry_jumppad:
0x0: {  	(pc) =	sbr.rel $0x88, $3  }
0x1: {  	(tag) =	ssettag $0x0;
	lr =	simm.s32 $0x1  }
0x2: {  	[smem:$0x3F9B] =	sst lr;
	_ =	strace $0xD0000000  }
0x3: {  	_ = 	snop  }
0x4: {  	_ = 	snop  }
0x5: {  	_ = 	snop  }
0x6: {  	_ = 	snop  }
0x7: {  	_ = 	snop  }
__scs_overlays_trampoline_lowered:
0x8: {  	[smem:$0x3FAA] =	sst s0  }
0x9: {  	[smem:$0x3FAB] =	sst s1  }
0xa: {  	[smem:$0x3FAC] =	sst s2  }
0xb: {  	[smem:$0x3FAD] =	sst s3  }
0xc: {  	[smem:$0x3FAE] =	sst s4  }
0xd: {  	[smem:$0x3FAF] =	sst s5  }
0xe: {  	[smem:$0x3FB0] =	sst s6  }
0xf: {  	[smem:$0x3FB1] =	sst s7  }
0x10: {  	[smem:$0x3FB2] =	sst s8  }
0x11: {  	[smem:$0x3FB3] =	sst s9;
	s0 =	simm.s32 @!p0 $0x0  }
0x12: {  	s1 =	sld [smem:$0x3F99];
	s0 =	simm.s32 @p0 $0x1  }
0x13: {  	[smem:$0x3FB4] =	sst s0;
	s0 =	simm.s32 @!p1 $0x0  }
0x14: {  	s2 =	sld [smem:$0x3F98];
	s0 =	simm.s32 @p1 $0x1  }
0x15: {  	[smem:$0x3FB5] =	sst s0;
	s0 =	simm.s32 @!p2 $0x0  }
0x16: {  	s3 =	sld [smem:$0x3FDB];
	s0 =	simm.s32 @p2 $0x1  }
0x17: {  	s4 =	simm.s32 $0x1BF5;
	[smem:$0x3FB7] =	sst s0  }
0x18: {  	s0 =	sld [smem:$0x3F9A];
	_ =	swait.ge [sflag:s4], $0x0  }
0x19: {  	s7 =	sld [smem:$0x3F9B]  }
0x1a: {  	s8 =	sadd.s32 $0xFFFFE003, lr  }
0x1b: {  	s9 =	sadd.s32 $0xFFFFFEF7, lr;
	s5 =	simm.s32 $0xFFFFFFFF;
	p2 =	slt.u32 s8, $0xFFFFF086  }
0x1c: {  	p1 =	slt.u32 s9, $0xF7A;
	s5 =	simm.s32 @!p2 $0x0  }
0x1d: {  	s5 =	simm.s32 @p1 $0x1;
	p0 =	seq.s32 s7, s2  }
0x1e: {  	s7 =	smul.u32 @!p0 $0xF7A, s2;
	p2 =	seq.s32 @!p0 s5, $0x0  }
0x1f: {  	s9 =	smul.u32 $0xF7A, s1;
	s8 =	simm.s32 @!p0 $0x1BF5;
	p2 =	por !p2, p0  }
0x20: {  	[sflag:s8] =	ssyncset.s32 @!p0 $0xFFFFF086;
	s6 =	sadd.s32 @!p0 s3, s7;
	s7 =	simm.s32 @!p0 $0x108  }
0x21: {  	s3 =	sadd.s32 s3, s9;
	s6 =	sadd.s32 @!p0 $0x88, s6;
	s7 =	simm.s32 @p2 $0x1082  }
0x22: {  	[simem:s7], [sflag:s8] =	dma.local @!p0 [hbm:s6], $0xF7A  }
0x23: {  	s9 =	sor.u32 $0xD0000000, s2;
	s6 =	simm.s32 $0x108;
	_ =	swait.ge @!p0 [sflag:s8], $0x0  }
0x24: {  	s3 =	sadd.s32 $0x88, s3;
	s6 =	simm.s32 @!p1 $0x1082;
	[sflag:s4] =	ssyncset.s32 $0xFFFFF086  }
0x25: {  	[simem:s6], [sflag:s4] =	dma.local [hbm:s3], $0xF7A  }
0x26: {  	[smem:$0x3F9B] =	sst s1;
	(tag) =	ssettag s2;
	_ =	strace s9  }
0x27: {  	s1 =	sld [smem:$0x3FAB]  }
0x28: {  	s2 =	sld [smem:$0x3FAC]  }
0x29: {  	s4 =	sld [smem:$0x3FAE]  }
0x2a: {  	p0 =	seq.s32 s5, $0x0;
	s5 =	sld [smem:$0x3FAF]  }
0x2b: {  	s6 =	sld [smem:$0x3FB0]  }
0x2c: {  	s7 =	sld [smem:$0x3FB1]  }
0x2d: {  	s3 =	simm.s32 $0x108;
	s8 =	sld [smem:$0x3FB2]  }
0x2e: {  	s3 =	simm.s32 @!p0 $0x1082;
	s9 =	sld [smem:$0x3FB3]  }
0x2f: {  	lr =	sadd.s32 s0, s3;
	s0 =	sld [smem:$0x3FAA]  }
0x30: {  	s3 =	sld [smem:$0x3FAD]  }
0x31: {  	[smem:$0x3FB6] =	sst s10  }
0x32: {  	s10 =	sld [smem:$0x3FB4];
	_ =	sdelay $0x3  }
0x33: {  	p0 =	seq.s32 s10, $0x1;
	s10 =	sld [smem:$0x3FB6];
	_ =	sdelay $0x3  }
0x34: {  	[smem:$0x3FB6] =	sst s10  }
0x35: {  	s10 =	sld [smem:$0x3FB5];
	_ =	sdelay $0x3  }
0x36: {  	p1 =	seq.s32 s10, $0x1;
	s10 =	sld [smem:$0x3FB6];
	_ =	sdelay $0x3  }
0x37: {  	[smem:$0x3FB6] =	sst s10  }
0x38: {  	s10 =	sld [smem:$0x3FB7]  }
0x39: {  	_ = 	snop;
	(pc) =	sbr.ind lr, $3  }
0x3a: {  	_ = 	snop  }
0x3b: {  	_ = 	snop  }
0x3c: {  	p2 =	seq.s32 s10, $0x1;
	s10 =	sld [smem:$0x3FB6]  }
0x3d: {  	_ =	shalt  }
0x3e: {  	_ =	shalt  }
0x3f: {  	_ =	shalt  }
0x40: {  	_ =	shalt  }
0x41: {  	_ =	shalt  }
0x42: {  	_ =	shalt  }
0x43: {  	_ =	shalt  }
0x44: {  	_ =	shalt  }
0x45: {  	_ =	shalt  }
0x46: {  	_ =	shalt  }
0x47: {  	_ =	shalt  }
0x48: {  	_ =	shalt  }
0x49: {  	_ =	shalt  }
0x4a: {  	_ =	shalt  }
0x4b: {  	_ =	shalt  }
0x4c: {  	_ =	shalt  }
0x4d: {  	_ =	shalt  }
0x4e: {  	_ =	shalt  }
0x4f: {  	_ =	shalt  }
0x50: {  	_ =	shalt  }
0x51: {  	_ =	shalt  }
0x52: {  	_ =	shalt  }
0x53: {  	_ =	shalt  }
0x54: {  	_ =	shalt  }
0x55: {  	_ =	shalt  }
0x56: {  	_ =	shalt  }
0x57: {  	_ =	shalt  }
0x58: {  	_ =	shalt  }
0x59: {  	_ =	shalt  }
0x5a: {  	_ =	shalt  }
0x5b: {  	_ =	shalt  }
0x5c: {  	_ =	shalt  }
0x5d: {  	_ =	shalt  }
0x5e: {  	_ =	shalt  }
0x5f: {  	_ =	shalt  }
0x60: {  	_ =	shalt  }
0x61: {  	_ =	shalt  }
0x62: {  	_ =	shalt  }
0x63: {  	_ =	shalt  }
0x64: {  	_ =	shalt  }
0x65: {  	_ =	shalt  }
0x66: {  	_ =	shalt  }
0x67: {  	_ =	shalt  }
0x68: {  	_ =	shalt  }
0x69: {  	_ =	shalt  }
0x6a: {  	_ =	shalt  }
0x6b: {  	_ =	shalt  }
0x6c: {  	_ =	shalt  }
0x6d: {  	_ =	shalt  }
0x6e: {  	_ =	shalt  }
0x6f: {  	_ =	shalt  }
0x70: {  	_ =	shalt  }
0x71: {  	_ =	shalt  }
0x72: {  	_ =	shalt  }
0x73: {  	_ =	shalt  }
0x74: {  	_ =	shalt  }
0x75: {  	_ =	shalt  }
0x76: {  	_ =	shalt  }
0x77: {  	_ =	shalt  }
0x78: {  	_ =	shalt  }
0x79: {  	_ =	shalt  }
0x7a: {  	_ =	shalt  }
0x7b: {  	_ =	shalt  }
0x7c: {  	_ =	shalt  }
0x7d: {  	_ =	shalt  }
0x7e: {  	_ =	shalt  }
0x7f: {  	_ =	shalt  }
0x80: {  	_ =	shalt  }
0x81: {  	_ =	shalt  }
0x82: {  	_ =	shalt  }
0x83: {  	_ =	shalt  }
0x84: {  	_ =	shalt  }
0x85: {  	_ =	shalt  }
0x86: {  	_ =	shalt  }
0x87: {  	_ =	shalt  }
.Lfunc_end0:
.L_simem_size_0:
called_computation.1_lowered:
.L_overlay_start_0:
0x88: {  	s2 =	sld [smem:$0x3FD9]  }
0x89: {  	s3 =	sld [smem:$0x3FFE];
	_ =	sdelay $0x1  }
0x8a: {  	s1 =	srdreg.scid  }
0x8b: {  	s0 =	sand.u32 $0x1, s1  }
0x8c: {  	s17 =	sshll.u32 s0, $0xA;
	s2 =	sadd.s32 s3, s2  }
0x8d: {  	s2 =	sadd.s32 s2, s17  }
0x8e: {  	[smem:$0x3FC2] =	sst s2  }
0x8f: {  	_ = 	snop  }
0x90: {  	s2 =	sld [smem:$0x3FD0];
	(tm) =	ssettm $0x1  }
0x91: {  	s18 =	sld [smem:$0x3FFB];
	_ =	sdelay $0x3  }
0x92: {  	_ =	strace s18  }
0x93: {  	s3 =	sld [smem:$0x3FFC];
	_ =	sdelay $0x3  }
0x94: {  	_ =	strace s3  }
0x95: {  	s3 =	sld [smem:$0x3FFD];
	_ =	sdelay $0x3  }
0x96: {  	_ =	strace s3  }
0x97: {  	_ =	strace $0x8FFFFFFF  }
0x98: {  	s19 =	sld [smem:$0x3FDB];
	_ =	sdelay $0x1  }
0x99: {  	s4 =	simm.s32 $_scs_section_size  }
0x9a: {  	s5 =	simm.s32 $_size__tile_overlayer_lowered;
	s6 =	simm.s32 $_tile_overlayer_lowered  }
0x9b: {  	s22 =	simm.s32 $0x1BFF;
	s21 =	sshll.u32 s6, $0x1;
	s3 =	sadd.s32 s4, s19  }
0x9c: {  	s7 =	simm.s32 $0x0;
	s20 =	sshll.u32 s5, $0x1;
	s5 =	sadd.s32 s21, s3  }
0x9d: {  	[timem:s7], [sflag:s22] =	dma.local [hbm:s5], s20  }
0x9e: {  	_ =	swait.ge [sflag:s22], s20  }
0x9f: {  	s4 =	ssub.s32 $0x0, s20;
	[sflag:s22] =	ssyncset.done $0x0  }
0xa0: {  	[sflag:s22] =	ssyncadd.s32 s4;
	_ =	sdelay $0x1  }
0xa1: {  	s23 =	simm.s32 $0x1B8B  }
0xa2: {  	_ =	swait.ge [sflag:s23], $0x1  }
0xa3: {  	[sflag:s23] =	ssyncset.done $0x0  }
0xa4: {  	s25 =	simm.s32 $0x1B8E;
	s24 =	sld [smem:$0x3FFE];
	[sflag:s23] =	ssyncadd.s32 $0xFFFFFFFF  }
0xa5: {  	s26 =	simm.s32 $execute0_lowered;
	[smem:$0x3FD2] =	sst s25  }
0xa6: {  	s5 =	sshll.u32 s26, $0x1;
	_ =	strace $0x80000049;
	[dreg:$0x1] =	wrdreg $0xFFFFFFFF  }
0xa7: {  	s28 =	simm.s32 $_size_execute0_lowered;
	s3 =	sadd.s32 s3, s5;
	[dreg:$0x0] =	wrdreg $0x0  }
0xa8: {  	s5 =	sshll.u32 s28, $0x1;
	[dreg:$0x2] =	wrdreg s3  }
0xa9: {  	[dreg:$0x3] =	wrdreg s5  }
0xaa: {  	[dreg:$0x4] =	wrdreg $0xC0  }
0xab: {  	_ =	task [dreg:s7], $0x5FFFF  }
0xac: {  	[dreg:$0x1] =	wrdreg $0xFFFFFFFF  }
0xad: {  	[dreg:$0x0] =	wrdreg $0x60  }
0xae: {  	[dreg:$0x2] =	wrdreg s2  }
0xaf: {  	[dreg:$0x3] =	wrdreg s24  }
0xb0: {  	[dreg:$0x4] =	wrdreg $0x30800  }
0xb1: {  	[dreg:$0x5] =	wrdreg $0x9  }
0xb2: {  	_ =	task.clear_ibuf [dreg:s7], $0x6FFFF;
	_ =	strace $0x90000049  }
0xb3: {  	s29 =	simm.s32 $0x9;
	_ =	strace $0x8000004B  }
0xb4: {  	_ =	swait.ge [sflag:s29], $0x1  }
0xb5: {  	[sflag:s29] =	ssyncadd.s32 $0xFFFFFFFF  }
0xb6: {  	_ =	strace $0x9000004B  }
0xb7: {  	_ =	sfence  }
0xb8: {  	s30 =	sld [smem:$0x0];
	_ =	sdelay $0x2  }
0xb9: {  	s31 =	sshll.u32 s1, $0xD;
	s1 =	sshrl.u32 s1, $0x2  }
0xba: {  	s3 =	sand.u32 $0x4000, s31;
	s1 =	sadd.s32 s1, s30  }
0xbb: {  	s0 =	sor.u32 s3, s0;
	s1 =	sshll.u32 s1, $0x11  }
0xbc: {  	s0 =	sor.u32 s1, s0  }
0xbd: {  	s0 =	sadd.s32 $0x8F2B, s0  }
0xbe: {  	[sflag:s0] =	ssyncadd.remote.s32 $0x1  }
0xbf: {  	_ =	sfence.sel $0xFFFF  }
0xc0: {  	[dreg:$0x0] =	wrdreg $0xFFFFFFFF;
	(pc) =	sbr.abs _section_cstart, $3  }
0xc1: {  	[dreg:$0x1] =	wrdreg $0xFFFFFFFF  }
0xc2: {  	_ =	task.clear_ibuf [dreg:s7], $0x2FFFF;
	_ =	strace $0x9FFFFFFF  }
0xc3: {  	(tm) =	ssettm $0x7FFFFFFF  }
tec
execute0_lowered:
.L_overlay_start_1:
0x0: {  	(tag) =	ssettag $0x1  }
0x1: {  	s1 =	rddreg [dreg:$0x0]  }
0x2: {  	s5 =	rddreg [dreg:$0x1]  }
0x3: {  	s2 =	rddreg [dreg:$0x2]  }
0x4: {  	s0 =	rddreg [dreg:$0x3]  }
0x5: {  	s3 =	simm.s32 $0x0;
	s4 =	srdreg.scid;
	s10 =	simm.s32 $0x2  }
0x6: {  	s11 =	simm.s32 $0x80;
	s12 =	simm.s32 $0x100;
	s6 =	sand.u32 $0x1, s4  }
0x7: {  	s13 =	simm.s32 $0x1;
	s4 =	stileid.u32;
	s7 =	smul.u32 $0x4F00, s6  }
0x8: {  	s17 =	simm.s32 $0x0;
	[smem:$0x7FF] =	sst s3;
	s8 =	smul.u32 $0x2780, s4  }
0x9: {  	_ =	strace $0x8000004A;
	s6 =	ssub.s32 $0x2, s6;
	s9 =	smul.u32 $0x4F0, s4  }
0xa: {  	s31 =	sshll.u32 s4, $0x6;
	s29 =	sshrl.u32 s6, $0x1;
	s7 =	sadd.s32 s7, s5  }
0xb: {  	s6 =	ssub.s32 s6, s29;
	s5 =	sadd.s32 s8, s2;
	s15 =	sshrl.u32 s8, $0x3  }
0xc: {  	s14 =	sadd.s32 $0x15400, s7;
	s6 =	smax.u32 s6, $0x1;
	s30 =	sadd.s32 s9, s7  }
0xd: {  	s9 =	simm.s32 $0x900;
	s16 =	sshrl.u32 s5, $0x3;
	s7 =	sadd.s32 $0xB600, s30  }
0xe: {  	v0 =	vimm.f32 $0.0e+00;
	s8 =	sadd.s32 $0x1800, s30;
	s14 =	sadd.s32 s15, s14;
	s15 =	sor.u32 $0x1C02, s31  }
.LBB2_1:
0xf: {  	s18 =	simm.s32 $0x40;
	s19 =	simm.s32 $0x0  }
.LBB2_2:
0x10: {  	p0 =	sne.s32 s18, $0x9DC0;
	[tilespmem:s19+$0x900] =	vst v0;
	s19 =	smov.u32 s18;
	s18 =	sadd.s32 $0x40, s18  }
.Ltmp0:
0x11: {  	(pc) =	sbr.rel @p0 .LBB2_2-.Ltmp0, $2  }
0x12: {  	_ =	sdelay $0x2  }
0x13: {  	s19 =	sshra.s32 s19, $0x2  }
0x14: {  	[tilespmem:s19+$0x900] =	vst v0  }
0x15: {  	[spmem:s5] =	stream.linear.scatter [tilespmem:s9], [sflag:$0x2], $0x2780, $0x38;
	[tilespmem:$0x5800] =	vst v63  }
0x16: {  	_ =	swait.ge [sflag:s10], $0x2780  }
0x17: {  	[sflag:s10] =	ssyncset.done $0x0  }
0x18: {  	[sflag:s10] =	ssyncadd.s32 $0xFFFFD880  }
0x19: {  	s18 =	sadd.s32 $0x0, s8;
	[bflag:$0x0] =	sbarrier.arrive $0xFFFF  }
0x1a: {  	[tilespmem:s3], [sflag:$0x2] =	stream.linear.gather [hbm4b:s18+s3], $0x80, $0x38;
	[tilespmem:$0x5800] =	vst v63  }
0x1b: {  	_ =	swait.ge [sflag:s10], $0x80  }
0x1c: {  	[sflag:s10] =	ssyncset.done $0x0  }
0x1d: {  	s31 =	sadd.s32 $0x0, s7;
	[sflag:s10] =	ssyncadd.s32 $0xFFFFFF80  }
0x1e: {  	[tilespmem:s11], [sflag:$0x2] =	stream.linear.gather [hbm4b:s31+s3], $0x80, $0x38;
	[tilespmem:$0x5800] =	vst v63  }
0x1f: {  	_ =	swait.ge [sflag:s10], $0x80  }
0x20: {  	[sflag:s10] =	ssyncset.done $0x0  }
0x21: {  	[sflag:s10] =	ssyncadd.s32 $0xFFFFFF80  }
0x22: {  	[tilespmem:s12], [sflag:$0x1] =	stream.indirect.gather [hbm4b:s1+s11], $0x10, s3, s11, $0xb8;
	[tilespmem:$0x5800] =	vst v63  }
0x23: {  	_ =	swait.ge [sflag:s13], $0x800  }
0x24: {  	[sflag:s13] =	ssyncset.done $0x0  }
0x25: {  	[sflag:s13] =	ssyncadd.s32 $0xFFFFF800  }
0x26: {  	[spmem:s2] =	stream.indirect.scatter.add.f32 [tilespmem:s12], [sflag:$0x2], $0x10, s11, s11, $0xb8;
	[tilespmem:$0x5800] =	vst v63  }
0x27: {  	_ =	swait.ge [sflag:s10], $0x800  }
0x28: {  	s19 =	simm.s32 $0x20;
	s18 =	simm.s32 $0x10;
	[sflag:s10] =	ssyncset.done $0x0  }
.LBB2_4:
0x29: {  	s20 =	sadd.s32 s18, s8  }
0x2a: {  	[sflag:s10] =	ssyncadd.s32 $0xFFFFF800;
	s21 =	smov.u32 s19;
	s22 =	sadd.s32 $0x10, s19  }
0x2b: {  	[tilespmem:s3], [sflag:$0x2] =	stream.linear.gather [hbm4b:s20+s3], $0x80, $0x38;
	[tilespmem:$0x5800] =	vst v63  }
0x2c: {  	p0 =	sne.s32 s19, $0x4E0;
	_ =	swait.ge [sflag:s10], $0x80  }
0x2d: {  	[sflag:s10] =	ssyncset.done $0x0  }
0x2e: {  	s19 =	sadd.s32 s18, s7;
	s18 =	smov.u32 s21;
	[sflag:s10] =	ssyncadd.s32 $0xFFFFFF80  }
0x2f: {  	[tilespmem:s11], [sflag:$0x2] =	stream.linear.gather [hbm4b:s19+s3], $0x80, $0x38;
	[tilespmem:$0x5800] =	vst v63  }
0x30: {  	_ =	swait.ge [sflag:s10], $0x80  }
0x31: {  	[sflag:s10] =	ssyncset.done $0x0  }
0x32: {  	[sflag:s10] =	ssyncadd.s32 $0xFFFFFF80  }
0x33: {  	[tilespmem:s12], [sflag:$0x1] =	stream.indirect.gather [hbm4b:s1+s11], $0x10, s3, s11, $0xb8;
	[tilespmem:$0x5800] =	vst v63  }
0x34: {  	_ =	swait.ge [sflag:s13], $0x800  }
.Ltmp1:
0x35: {  	[sflag:s13] =	ssyncset.done $0x0;
	(pc) =	sbr.rel @p0 .LBB2_4-.Ltmp1, $4  }
0x36: {  	[sflag:s13] =	ssyncadd.s32 $0xFFFFF800  }
0x37: {  	[spmem:s2] =	stream.indirect.scatter.add.f32 [tilespmem:s12], [sflag:$0x2], $0x10, s11, s11, $0xb8;
	[tilespmem:$0x5800] =	vst v63  }
0x38: {  	_ =	swait.ge [sflag:s10], $0x800  }
0x39: {  	s19 =	smov.u32 s22;
	[sflag:s10] =	ssyncset.done $0x0  }
0x3a: {  	s19 =	sadd.s32 s18, s8;
	[sflag:s10] =	ssyncadd.s32 $0xFFFFF800  }
0x3b: {  	[tilespmem:s3], [sflag:$0x2] =	stream.linear.gather [hbm4b:s19+s3], $0x80, $0x38;
	[tilespmem:$0x5800] =	vst v63  }
0x3c: {  	_ =	swait.ge [sflag:s10], $0x80  }
0x3d: {  	[sflag:s10] =	ssyncset.done $0x0  }
0x3e: {  	s31 =	sadd.s32 s18, s7;
	[sflag:s10] =	ssyncadd.s32 $0xFFFFFF80  }
0x3f: {  	[tilespmem:s11], [sflag:$0x2] =	stream.linear.gather [hbm4b:s31+s3], $0x80, $0x38;
	[tilespmem:$0x5800] =	vst v63  }
0x40: {  	_ =	swait.ge [sflag:s10], $0x80  }
0x41: {  	[sflag:s10] =	ssyncset.done $0x0  }
0x42: {  	[sflag:s10] =	ssyncadd.s32 $0xFFFFFF80  }
0x43: {  	[tilespmem:s12], [sflag:$0x1] =	stream.indirect.gather [hbm4b:s1+s11], $0x10, s3, s11, $0xb8;
	[tilespmem:$0x5800] =	vst v63  }
0x44: {  	_ =	swait.ge [sflag:s13], $0x800  }
0x45: {  	[sflag:s13] =	ssyncset.done $0x0  }
0x46: {  	[sflag:s13] =	ssyncadd.s32 $0xFFFFF800  }
0x47: {  	[spmem:s2] =	stream.indirect.scatter.add.f32 [tilespmem:s12], [sflag:$0x2], $0x10, s11, s11, $0xb8;
	[tilespmem:$0x5800] =	vst v63  }
0x48: {  	_ =	swait.ge [sflag:s10], $0x800  }
0x49: {  	s17 =	sadd.s32 $0x1, s17;
	[sflag:s10] =	ssyncset.done $0x0  }
0x4a: {  	p0 =	sne.s32 s17, s6;
	[sflag:s10] =	ssyncadd.s32 $0xFFFFF800  }
.Ltmp2:
0x4b: {  	[bflag:$0x0] =	sbarrier.arrive $0xFFFF;
	(pc) =	sbr.rel @p0 .LBB2_1-.Ltmp2, $4  }
0x4c: {  	[hbm:s14], [sflag:s15] =	dma.local [spmem:s16], $0x4F0  }
0x4d: {  	_ =	swait.ge [sflag:s10], $0x4F0  }
0x4e: {  	[sflag:s10] =	ssyncset.done $0x0  }
0x4f: {  	[sflag:s10] =	ssyncadd.s32 $0xFFFFFB10  }
0x50: {  	_ =	sfence.sel $0x180000  }
0x51: {  	[bflag:$0x0] =	sbarrier.arrive $0xFFFF  }
0x52: {  	p0 =	sne.s32 s4, $0x0;
	_ =	strace $0x9000004A  }
0x53: {  	s0 =	sadd.s32 @!p0 $0x100000, s0;
	[bflag:$0x2] =	sbarrier.arrive $0xFFFF  }
0x54: {  	[sflag:s0] =	ssyncadd.tile.s32 @!p0 $0x1;
	_ =	shalt  }
.Lfunc_end2:
_tile_overlayer_lowered:
.L_overlay_start_2:
0x55: {  	(tag) =	ssettag $0x2  }
0x56: {  	s0 =	rddreg [dreg:$0x0];
	s2 =	stileid.u32  }
0x57: {  	s1 =	rddreg [dreg:$0x1];
	p0 =	sne.s32 s2, $0x0  }
0x58: {  	s3 =	rddreg [dreg:$0x2];
	[bflag:$0x3] =	sbarrier.arrive $0xFFFF;
	s2 =	simm.s32 @!p0 $0x1C02  }
0x59: {  	[timem:s3], [sflag:s2] =	dma.local @!p0 [hbm:s0], s1  }
0x5a: {  	s0 =	simm.s32 @!p0 $0x2  }
0x5b: {  	_ =	swait.ge @!p0 [sflag:s0], s1  }
0x5c: {  	s1 =	ssub.s32 @!p0 $0x0, s1;
	[sflag:s0] =	ssyncset.done @!p0 $0x0  }
0x5d: {  	[sflag:s0] =	ssyncadd.s32 @!p0 s1  }
0x5e: {  	[bflag:$0x3] =	sbarrier.arrive $0xFFFF  }
0x5f: {  	_ =	shalt  }

// kernel: kernel.15.cloned.1.call-start
scs
__scs_entry_jumppad:
0x0: {  	(pc) =	sbr.rel $0x88, $3  }
0x1: {  	(tag) =	ssettag $0x0;
	lr =	simm.s32 $0x1  }
0x2: {  	[smem:$0x3F9B] =	sst lr;
	_ =	strace $0xD0000000  }
0x3: {  	_ = 	snop  }
0x4: {  	_ = 	snop  }
0x5: {  	_ = 	snop  }
0x6: {  	_ = 	snop  }
0x7: {  	_ = 	snop  }
__scs_overlays_trampoline_lowered:
0x8: {  	[smem:$0x3FAA] =	sst s0  }
0x9: {  	[smem:$0x3FAB] =	sst s1  }
0xa: {  	[smem:$0x3FAC] =	sst s2  }
0xb: {  	[smem:$0x3FAD] =	sst s3  }
0xc: {  	[smem:$0x3FAE] =	sst s4  }
0xd: {  	[smem:$0x3FAF] =	sst s5  }
0xe: {  	[smem:$0x3FB0] =	sst s6  }
0xf: {  	[smem:$0x3FB1] =	sst s7  }
0x10: {  	[smem:$0x3FB2] =	sst s8  }
0x11: {  	[smem:$0x3FB3] =	sst s9;
	s0 =	simm.s32 @!p0 $0x0  }
0x12: {  	s1 =	sld [smem:$0x3F99];
	s0 =	simm.s32 @p0 $0x1  }
0x13: {  	[smem:$0x3FB4] =	sst s0;
	s0 =	simm.s32 @!p1 $0x0  }
0x14: {  	s2 =	sld [smem:$0x3F98];
	s0 =	simm.s32 @p1 $0x1  }
0x15: {  	[smem:$0x3FB5] =	sst s0;
	s0 =	simm.s32 @!p2 $0x0  }
0x16: {  	s3 =	sld [smem:$0x3FDB];
	s0 =	simm.s32 @p2 $0x1  }
0x17: {  	s4 =	simm.s32 $0x1BF5;
	[smem:$0x3FB7] =	sst s0  }
0x18: {  	s0 =	sld [smem:$0x3F9A];
	_ =	swait.ge [sflag:s4], $0x0  }
0x19: {  	s7 =	sld [smem:$0x3F9B]  }
0x1a: {  	s8 =	sadd.s32 $0xFFFFE003, lr  }
0x1b: {  	s9 =	sadd.s32 $0xFFFFFEF7, lr;
	s5 =	simm.s32 $0xFFFFFFFF;
	p2 =	slt.u32 s8, $0xFFFFF086  }
0x1c: {  	p1 =	slt.u32 s9, $0xF7A;
	s5 =	simm.s32 @!p2 $0x0  }
0x1d: {  	s5 =	simm.s32 @p1 $0x1;
	p0 =	seq.s32 s7, s2  }
0x1e: {  	s7 =	smul.u32 @!p0 $0xF7A, s2;
	p2 =	seq.s32 @!p0 s5, $0x0  }
0x1f: {  	s9 =	smul.u32 $0xF7A, s1;
	s8 =	simm.s32 @!p0 $0x1BF5;
	p2 =	por !p2, p0  }
0x20: {  	[sflag:s8] =	ssyncset.s32 @!p0 $0xFFFFF086;
	s6 =	sadd.s32 @!p0 s3, s7;
	s7 =	simm.s32 @!p0 $0x108  }
0x21: {  	s3 =	sadd.s32 s3, s9;
	s6 =	sadd.s32 @!p0 $0x88, s6;
	s7 =	simm.s32 @p2 $0x1082  }
0x22: {  	[simem:s7], [sflag:s8] =	dma.local @!p0 [hbm:s6], $0xF7A  }
0x23: {  	s9 =	sor.u32 $0xD0000000, s2;
	s6 =	simm.s32 $0x108;
	_ =	swait.ge @!p0 [sflag:s8], $0x0  }
0x24: {  	s3 =	sadd.s32 $0x88, s3;
	s6 =	simm.s32 @!p1 $0x1082;
	[sflag:s4] =	ssyncset.s32 $0xFFFFF086  }
0x25: {  	[simem:s6], [sflag:s4] =	dma.local [hbm:s3], $0xF7A  }
0x26: {  	[smem:$0x3F9B] =	sst s1;
	(tag) =	ssettag s2;
	_ =	strace s9  }
0x27: {  	s1 =	sld [smem:$0x3FAB]  }
0x28: {  	s2 =	sld [smem:$0x3FAC]  }
0x29: {  	s4 =	sld [smem:$0x3FAE]  }
0x2a: {  	p0 =	seq.s32 s5, $0x0;
	s5 =	sld [smem:$0x3FAF]  }
0x2b: {  	s6 =	sld [smem:$0x3FB0]  }
0x2c: {  	s7 =	sld [smem:$0x3FB1]  }
0x2d: {  	s3 =	simm.s32 $0x108;
	s8 =	sld [smem:$0x3FB2]  }
0x2e: {  	s3 =	simm.s32 @!p0 $0x1082;
	s9 =	sld [smem:$0x3FB3]  }
0x2f: {  	lr =	sadd.s32 s0, s3;
	s0 =	sld [smem:$0x3FAA]  }
0x30: {  	s3 =	sld [smem:$0x3FAD]  }
0x31: {  	[smem:$0x3FB6] =	sst s10  }
0x32: {  	s10 =	sld [smem:$0x3FB4];
	_ =	sdelay $0x3  }
0x33: {  	p0 =	seq.s32 s10, $0x1;
	s10 =	sld [smem:$0x3FB6];
	_ =	sdelay $0x3  }
0x34: {  	[smem:$0x3FB6] =	sst s10  }
0x35: {  	s10 =	sld [smem:$0x3FB5];
	_ =	sdelay $0x3  }
0x36: {  	p1 =	seq.s32 s10, $0x1;
	s10 =	sld [smem:$0x3FB6];
	_ =	sdelay $0x3  }
0x37: {  	[smem:$0x3FB6] =	sst s10  }
0x38: {  	s10 =	sld [smem:$0x3FB7]  }
0x39: {  	_ = 	snop;
	(pc) =	sbr.ind lr, $3  }
0x3a: {  	_ = 	snop  }
0x3b: {  	_ = 	snop  }
0x3c: {  	p2 =	seq.s32 s10, $0x1;
	s10 =	sld [smem:$0x3FB6]  }
0x3d: {  	_ =	shalt  }
0x3e: {  	_ =	shalt  }
0x3f: {  	_ =	shalt  }
0x40: {  	_ =	shalt  }
0x41: {  	_ =	shalt  }
0x42: {  	_ =	shalt  }
0x43: {  	_ =	shalt  }
0x44: {  	_ =	shalt  }
0x45: {  	_ =	shalt  }
0x46: {  	_ =	shalt  }
0x47: {  	_ =	shalt  }
0x48: {  	_ =	shalt  }
0x49: {  	_ =	shalt  }
0x4a: {  	_ =	shalt  }
0x4b: {  	_ =	shalt  }
0x4c: {  	_ =	shalt  }
0x4d: {  	_ =	shalt  }
0x4e: {  	_ =	shalt  }
0x4f: {  	_ =	shalt  }
0x50: {  	_ =	shalt  }
0x51: {  	_ =	shalt  }
0x52: {  	_ =	shalt  }
0x53: {  	_ =	shalt  }
0x54: {  	_ =	shalt  }
0x55: {  	_ =	shalt  }
0x56: {  	_ =	shalt  }
0x57: {  	_ =	shalt  }
0x58: {  	_ =	shalt  }
0x59: {  	_ =	shalt  }
0x5a: {  	_ =	shalt  }
0x5b: {  	_ =	shalt  }
0x5c: {  	_ =	shalt  }
0x5d: {  	_ =	shalt  }
0x5e: {  	_ =	shalt  }
0x5f: {  	_ =	shalt  }
0x60: {  	_ =	shalt  }
0x61: {  	_ =	shalt  }
0x62: {  	_ =	shalt  }
0x63: {  	_ =	shalt  }
0x64: {  	_ =	shalt  }
0x65: {  	_ =	shalt  }
0x66: {  	_ =	shalt  }
0x67: {  	_ =	shalt  }
0x68: {  	_ =	shalt  }
0x69: {  	_ =	shalt  }
0x6a: {  	_ =	shalt  }
0x6b: {  	_ =	shalt  }
0x6c: {  	_ =	shalt  }
0x6d: {  	_ =	shalt  }
0x6e: {  	_ =	shalt  }
0x6f: {  	_ =	shalt  }
0x70: {  	_ =	shalt  }
0x71: {  	_ =	shalt  }
0x72: {  	_ =	shalt  }
0x73: {  	_ =	shalt  }
0x74: {  	_ =	shalt  }
0x75: {  	_ =	shalt  }
0x76: {  	_ =	shalt  }
0x77: {  	_ =	shalt  }
0x78: {  	_ =	shalt  }
0x79: {  	_ =	shalt  }
0x7a: {  	_ =	shalt  }
0x7b: {  	_ =	shalt  }
0x7c: {  	_ =	shalt  }
0x7d: {  	_ =	shalt  }
0x7e: {  	_ =	shalt  }
0x7f: {  	_ =	shalt  }
0x80: {  	_ =	shalt  }
0x81: {  	_ =	shalt  }
0x82: {  	_ =	shalt  }
0x83: {  	_ =	shalt  }
0x84: {  	_ =	shalt  }
0x85: {  	_ =	shalt  }
0x86: {  	_ =	shalt  }
0x87: {  	_ =	shalt  }
.Lfunc_end0:
.L_simem_size_0:
called_computation.2_lowered:
.L_overlay_start_0:
0x88: {  	s2 =	sld [smem:$0x3FD9]  }
0x89: {  	s3 =	sld [smem:$0x3FFE];
	_ =	sdelay $0x1  }
0x8a: {  	s1 =	srdreg.scid  }
0x8b: {  	s0 =	sand.u32 $0x1, s1  }
0x8c: {  	s17 =	sshll.u32 s0, $0xA;
	s2 =	sadd.s32 s3, s2  }
0x8d: {  	s2 =	sadd.s32 s2, s17  }
0x8e: {  	[smem:$0x3FC2] =	sst s2  }
0x8f: {  	_ = 	snop  }
0x90: {  	s2 =	sld [smem:$0x3FD0];
	(tm) =	ssettm $0x1  }
0x91: {  	s18 =	sld [smem:$0x3FFB];
	_ =	sdelay $0x3  }
0x92: {  	_ =	strace s18  }
0x93: {  	s3 =	sld [smem:$0x3FFC];
	_ =	sdelay $0x3  }
0x94: {  	_ =	strace s3  }
0x95: {  	s3 =	sld [smem:$0x3FFD];
	_ =	sdelay $0x3  }
0x96: {  	_ =	strace s3  }
0x97: {  	_ =	strace $0x8FFFFFFF  }
0x98: {  	s19 =	sld [smem:$0x3FDB];
	_ =	sdelay $0x1  }
0x99: {  	s4 =	simm.s32 $_scs_section_size  }
0x9a: {  	s5 =	simm.s32 $_size__tile_overlayer_lowered;
	s6 =	simm.s32 $_tile_overlayer_lowered  }
0x9b: {  	s22 =	simm.s32 $0x1BFF;
	s21 =	sshll.u32 s6, $0x1;
	s3 =	sadd.s32 s4, s19  }
0x9c: {  	s7 =	simm.s32 $0x0;
	s20 =	sshll.u32 s5, $0x1;
	s5 =	sadd.s32 s21, s3  }
0x9d: {  	[timem:s7], [sflag:s22] =	dma.local [hbm:s5], s20  }
0x9e: {  	_ =	swait.ge [sflag:s22], s20  }
0x9f: {  	s4 =	ssub.s32 $0x0, s20;
	[sflag:s22] =	ssyncset.done $0x0  }
0xa0: {  	[sflag:s22] =	ssyncadd.s32 s4;
	_ =	sdelay $0x1  }
0xa1: {  	s23 =	simm.s32 $0x1B8B  }
0xa2: {  	_ =	swait.ge [sflag:s23], $0x1  }
0xa3: {  	[sflag:s23] =	ssyncset.done $0x0  }
0xa4: {  	s25 =	simm.s32 $0x1B8E;
	s24 =	sld [smem:$0x3FFE];
	[sflag:s23] =	ssyncadd.s32 $0xFFFFFFFF  }
0xa5: {  	s26 =	simm.s32 $execute0_lowered;
	[smem:$0x3FD2] =	sst s25  }
0xa6: {  	s5 =	sshll.u32 s26, $0x1;
	_ =	strace $0x8000004C;
	[dreg:$0x1] =	wrdreg $0xFFFFFFFF  }
0xa7: {  	s28 =	simm.s32 $_size_execute0_lowered;
	s3 =	sadd.s32 s3, s5;
	[dreg:$0x0] =	wrdreg $0x0  }
0xa8: {  	s5 =	sshll.u32 s28, $0x1;
	[dreg:$0x2] =	wrdreg s3  }
0xa9: {  	[dreg:$0x3] =	wrdreg s5  }
0xaa: {  	[dreg:$0x4] =	wrdreg $0xC0  }
0xab: {  	_ =	task [dreg:s7], $0x5FFFF  }
0xac: {  	[dreg:$0x1] =	wrdreg $0xFFFFFFFF  }
0xad: {  	[dreg:$0x0] =	wrdreg $0x60  }
0xae: {  	[dreg:$0x2] =	wrdreg s2  }
0xaf: {  	[dreg:$0x3] =	wrdreg s24  }
0xb0: {  	[dreg:$0x4] =	wrdreg $0x30800  }
0xb1: {  	[dreg:$0x5] =	wrdreg $0x9  }
0xb2: {  	_ =	task.clear_ibuf [dreg:s7], $0x6FFFF;
	_ =	strace $0x9000004C  }
0xb3: {  	s29 =	simm.s32 $0x9;
	_ =	strace $0x8000004E  }
0xb4: {  	_ =	swait.ge [sflag:s29], $0x1  }
0xb5: {  	[sflag:s29] =	ssyncadd.s32 $0xFFFFFFFF  }
0xb6: {  	_ =	strace $0x9000004E  }
0xb7: {  	_ =	sfence  }
0xb8: {  	s30 =	sld [smem:$0x0];
	_ =	sdelay $0x2  }
0xb9: {  	s31 =	sshll.u32 s1, $0xD;
	s1 =	sshrl.u32 s1, $0x2  }
0xba: {  	s3 =	sand.u32 $0x4000, s31;
	s1 =	sadd.s32 s1, s30  }
0xbb: {  	s0 =	sor.u32 s3, s0;
	s1 =	sshll.u32 s1, $0x11  }
0xbc: {  	s0 =	sor.u32 s1, s0  }
0xbd: {  	s0 =	sadd.s32 $0x8F2B, s0  }
0xbe: {  	[sflag:s0] =	ssyncadd.remote.s32 $0x1  }
0xbf: {  	_ =	sfence.sel $0xFFFF  }
0xc0: {  	[dreg:$0x0] =	wrdreg $0xFFFFFFFF;
	(pc) =	sbr.abs _section_cstart, $3  }
0xc1: {  	[dreg:$0x1] =	wrdreg $0xFFFFFFFF  }
0xc2: {  	_ =	task.clear_ibuf [dreg:s7], $0x2FFFF;
	_ =	strace $0x9FFFFFFF  }
0xc3: {  	(tm) =	ssettm $0x7FFFFFFF  }
tec
execute0_lowered:
.L_overlay_start_1:
0x0: {  	(tag) =	ssettag $0x1  }
0x1: {  	s1 =	rddreg [dreg:$0x0]  }
0x2: {  	s5 =	rddreg [dreg:$0x1]  }
0x3: {  	s2 =	rddreg [dreg:$0x2]  }
0x4: {  	s0 =	rddreg [dreg:$0x3]  }
0x5: {  	s3 =	simm.s32 $0x0;
	s4 =	srdreg.scid;
	s10 =	simm.s32 $0x2  }
0x6: {  	s11 =	simm.s32 $0x80;
	s12 =	simm.s32 $0x100;
	s6 =	sand.u32 $0x1, s4  }
0x7: {  	s13 =	simm.s32 $0x1;
	s4 =	stileid.u32;
	s7 =	smul.u32 $0x4F00, s6  }
0x8: {  	s17 =	simm.s32 $0x0;
	[smem:$0x7FF] =	sst s3;
	s8 =	smul.u32 $0x2780, s4  }
0x9: {  	_ =	strace $0x8000004D;
	s6 =	ssub.s32 $0x2, s6;
	s9 =	smul.u32 $0x4F0, s4  }
0xa: {  	s31 =	sshll.u32 s4, $0x6;
	s29 =	sshrl.u32 s6, $0x1;
	s7 =	sadd.s32 s7, s5  }
0xb: {  	s6 =	ssub.s32 s6, s29;
	s5 =	sadd.s32 s8, s2;
	s15 =	sshrl.u32 s8, $0x3  }
0xc: {  	s14 =	sadd.s32 $0x15400, s7;
	s6 =	smax.u32 s6, $0x1;
	s30 =	sadd.s32 s9, s7  }
0xd: {  	s9 =	simm.s32 $0x900;
	s16 =	sshrl.u32 s5, $0x3;
	s7 =	sadd.s32 $0xB600, s30  }
0xe: {  	v0 =	vimm.f32 $0.0e+00;
	s8 =	sadd.s32 $0x1800, s30;
	s14 =	sadd.s32 s15, s14;
	s15 =	sor.u32 $0x1C02, s31  }
.LBB2_1:
0xf: {  	s18 =	simm.s32 $0x40;
	s19 =	simm.s32 $0x0  }
.LBB2_2:
0x10: {  	p0 =	sne.s32 s18, $0x9DC0;
	[tilespmem:s19+$0x900] =	vst v0;
	s19 =	smov.u32 s18;
	s18 =	sadd.s32 $0x40, s18  }
.Ltmp0:
0x11: {  	(pc) =	sbr.rel @p0 .LBB2_2-.Ltmp0, $2  }
0x12: {  	_ =	sdelay $0x2  }
0x13: {  	s19 =	sshra.s32 s19, $0x2  }
0x14: {  	[tilespmem:s19+$0x900] =	vst v0  }
0x15: {  	[spmem:s5] =	stream.linear.scatter [tilespmem:s9], [sflag:$0x2], $0x2780, $0x38;
	[tilespmem:$0x5800] =	vst v63  }
0x16: {  	_ =	swait.ge [sflag:s10], $0x2780  }
0x17: {  	[sflag:s10] =	ssyncset.done $0x0  }
0x18: {  	[sflag:s10] =	ssyncadd.s32 $0xFFFFD880  }
0x19: {  	s18 =	sadd.s32 $0x0, s8;
	[bflag:$0x0] =	sbarrier.arrive $0xFFFF  }
0x1a: {  	[tilespmem:s3], [sflag:$0x2] =	stream.linear.gather [hbm4b:s18+s3], $0x80, $0x38;
	[tilespmem:$0x5800] =	vst v63  }
0x1b: {  	_ =	swait.ge [sflag:s10], $0x80  }
0x1c: {  	[sflag:s10] =	ssyncset.done $0x0  }
0x1d: {  	s31 =	sadd.s32 $0x0, s7;
	[sflag:s10] =	ssyncadd.s32 $0xFFFFFF80  }
0x1e: {  	[tilespmem:s11], [sflag:$0x2] =	stream.linear.gather [hbm4b:s31+s3], $0x80, $0x38;
	[tilespmem:$0x5800] =	vst v63  }
0x1f: {  	_ =	swait.ge [sflag:s10], $0x80  }
0x20: {  	[sflag:s10] =	ssyncset.done $0x0  }
0x21: {  	[sflag:s10] =	ssyncadd.s32 $0xFFFFFF80  }
0x22: {  	[tilespmem:s12], [sflag:$0x1] =	stream.indirect.gather [hbm4b:s1+s11], $0x10, s3, s11, $0xb8;
	[tilespmem:$0x5800] =	vst v63  }
0x23: {  	_ =	swait.ge [sflag:s13], $0x800  }
0x24: {  	[sflag:s13] =	ssyncset.done $0x0  }
0x25: {  	[sflag:s13] =	ssyncadd.s32 $0xFFFFF800  }
0x26: {  	[spmem:s2] =	stream.indirect.scatter.add.f32 [tilespmem:s12], [sflag:$0x2], $0x10, s11, s11, $0xb8;
	[tilespmem:$0x5800] =	vst v63  }
0x27: {  	_ =	swait.ge [sflag:s10], $0x800  }
0x28: {  	s19 =	simm.s32 $0x20;
	s18 =	simm.s32 $0x10;
	[sflag:s10] =	ssyncset.done $0x0  }
.LBB2_4:
0x29: {  	s20 =	sadd.s32 s18, s8  }
0x2a: {  	[sflag:s10] =	ssyncadd.s32 $0xFFFFF800;
	s21 =	smov.u32 s19;
	s22 =	sadd.s32 $0x10, s19  }
0x2b: {  	[tilespmem:s3], [sflag:$0x2] =	stream.linear.gather [hbm4b:s20+s3], $0x80, $0x38;
	[tilespmem:$0x5800] =	vst v63  }
0x2c: {  	p0 =	sne.s32 s19, $0x4E0;
	_ =	swait.ge [sflag:s10], $0x80  }
0x2d: {  	[sflag:s10] =	ssyncset.done $0x0  }
0x2e: {  	s19 =	sadd.s32 s18, s7;
	s18 =	smov.u32 s21;
	[sflag:s10] =	ssyncadd.s32 $0xFFFFFF80  }
0x2f: {  	[tilespmem:s11], [sflag:$0x2] =	stream.linear.gather [hbm4b:s19+s3], $0x80, $0x38;
	[tilespmem:$0x5800] =	vst v63  }
0x30: {  	_ =	swait.ge [sflag:s10], $0x80  }
0x31: {  	[sflag:s10] =	ssyncset.done $0x0  }
0x32: {  	[sflag:s10] =	ssyncadd.s32 $0xFFFFFF80  }
0x33: {  	[tilespmem:s12], [sflag:$0x1] =	stream.indirect.gather [hbm4b:s1+s11], $0x10, s3, s11, $0xb8;
	[tilespmem:$0x5800] =	vst v63  }
0x34: {  	_ =	swait.ge [sflag:s13], $0x800  }
.Ltmp1:
0x35: {  	[sflag:s13] =	ssyncset.done $0x0;
	(pc) =	sbr.rel @p0 .LBB2_4-.Ltmp1, $4  }
0x36: {  	[sflag:s13] =	ssyncadd.s32 $0xFFFFF800  }
0x37: {  	[spmem:s2] =	stream.indirect.scatter.add.f32 [tilespmem:s12], [sflag:$0x2], $0x10, s11, s11, $0xb8;
	[tilespmem:$0x5800] =	vst v63  }
0x38: {  	_ =	swait.ge [sflag:s10], $0x800  }
0x39: {  	s19 =	smov.u32 s22;
	[sflag:s10] =	ssyncset.done $0x0  }
0x3a: {  	s19 =	sadd.s32 s18, s8;
	[sflag:s10] =	ssyncadd.s32 $0xFFFFF800  }
0x3b: {  	[tilespmem:s3], [sflag:$0x2] =	stream.linear.gather [hbm4b:s19+s3], $0x80, $0x38;
	[tilespmem:$0x5800] =	vst v63  }
0x3c: {  	_ =	swait.ge [sflag:s10], $0x80  }
0x3d: {  	[sflag:s10] =	ssyncset.done $0x0  }
0x3e: {  	s31 =	sadd.s32 s18, s7;
	[sflag:s10] =	ssyncadd.s32 $0xFFFFFF80  }
0x3f: {  	[tilespmem:s11], [sflag:$0x2] =	stream.linear.gather [hbm4b:s31+s3], $0x80, $0x38;
	[tilespmem:$0x5800] =	vst v63  }
0x40: {  	_ =	swait.ge [sflag:s10], $0x80  }
0x41: {  	[sflag:s10] =	ssyncset.done $0x0  }
0x42: {  	[sflag:s10] =	ssyncadd.s32 $0xFFFFFF80  }
0x43: {  	[tilespmem:s12], [sflag:$0x1] =	stream.indirect.gather [hbm4b:s1+s11], $0x10, s3, s11, $0xb8;
	[tilespmem:$0x5800] =	vst v63  }
0x44: {  	_ =	swait.ge [sflag:s13], $0x800  }
0x45: {  	[sflag:s13] =	ssyncset.done $0x0  }
0x46: {  	[sflag:s13] =	ssyncadd.s32 $0xFFFFF800  }
0x47: {  	[spmem:s2] =	stream.indirect.scatter.add.f32 [tilespmem:s12], [sflag:$0x2], $0x10, s11, s11, $0xb8;
	[tilespmem:$0x5800] =	vst v63  }
0x48: {  	_ =	swait.ge [sflag:s10], $0x800  }
0x49: {  	s17 =	sadd.s32 $0x1, s17;
	[sflag:s10] =	ssyncset.done $0x0  }
0x4a: {  	p0 =	sne.s32 s17, s6;
	[sflag:s10] =	ssyncadd.s32 $0xFFFFF800  }
.Ltmp2:
0x4b: {  	[bflag:$0x0] =	sbarrier.arrive $0xFFFF;
	(pc) =	sbr.rel @p0 .LBB2_1-.Ltmp2, $4  }
0x4c: {  	[hbm:s14], [sflag:s15] =	dma.local [spmem:s16], $0x4F0  }
0x4d: {  	_ =	swait.ge [sflag:s10], $0x4F0  }
0x4e: {  	[sflag:s10] =	ssyncset.done $0x0  }
0x4f: {  	[sflag:s10] =	ssyncadd.s32 $0xFFFFFB10  }
0x50: {  	_ =	sfence.sel $0x180000  }
0x51: {  	[bflag:$0x0] =	sbarrier.arrive $0xFFFF  }
0x52: {  	p0 =	sne.s32 s4, $0x0;
	_ =	strace $0x9000004D  }
0x53: {  	s0 =	sadd.s32 @!p0 $0x100000, s0;
	[bflag:$0x2] =	sbarrier.arrive $0xFFFF  }
0x54: {  	[sflag:s0] =	ssyncadd.tile.s32 @!p0 $0x1;
	_ =	shalt  }
.Lfunc_end2:
_tile_overlayer_lowered:
.L_overlay_start_2:
0x55: {  	(tag) =	ssettag $0x2  }
0x56: {  	s0 =	rddreg [dreg:$0x0];
	s2 =	stileid.u32  }
0x57: {  	s1 =	rddreg [dreg:$0x1];
	p0 =	sne.s32 s2, $0x0  }
0x58: {  	s3 =	rddreg [dreg:$0x2];
	[bflag:$0x3] =	sbarrier.arrive $0xFFFF;
	s2 =	simm.s32 @!p0 $0x1C02  }
0x59: {  	[timem:s3], [sflag:s2] =	dma.local @!p0 [hbm:s0], s1  }
0x5a: {  	s0 =	simm.s32 @!p0 $0x2  }
0x5b: {  	_ =	swait.ge @!p0 [sflag:s0], s1  }
0x5c: {  	s1 =	ssub.s32 @!p0 $0x0, s1;
	[sflag:s0] =	ssyncset.done @!p0 $0x0  }
0x5d: {  	[sflag:s0] =	ssyncadd.s32 @!p0 s1  }
0x5e: {  	[bflag:$0x3] =	sbarrier.arrive $0xFFFF  }
0x5f: {  	_ =	shalt  }

// kernel: kernel.9.cloned.1.call-start
scs
__scs_entry_jumppad:
0x0: {  	(pc) =	sbr.rel $0x88, $3  }
0x1: {  	(tag) =	ssettag $0x0;
	lr =	simm.s32 $0x1  }
0x2: {  	[smem:$0x3F9B] =	sst lr;
	_ =	strace $0xD0000000  }
0x3: {  	_ = 	snop  }
0x4: {  	_ = 	snop  }
0x5: {  	_ = 	snop  }
0x6: {  	_ = 	snop  }
0x7: {  	_ = 	snop  }
__scs_overlays_trampoline_lowered:
0x8: {  	[smem:$0x3FAA] =	sst s0  }
0x9: {  	[smem:$0x3FAB] =	sst s1  }
0xa: {  	[smem:$0x3FAC] =	sst s2  }
0xb: {  	[smem:$0x3FAD] =	sst s3  }
0xc: {  	[smem:$0x3FAE] =	sst s4  }
0xd: {  	[smem:$0x3FAF] =	sst s5  }
0xe: {  	[smem:$0x3FB0] =	sst s6  }
0xf: {  	[smem:$0x3FB1] =	sst s7  }
0x10: {  	[smem:$0x3FB2] =	sst s8  }
0x11: {  	[smem:$0x3FB3] =	sst s9;
	s0 =	simm.s32 @!p0 $0x0  }
0x12: {  	s1 =	sld [smem:$0x3F99];
	s0 =	simm.s32 @p0 $0x1  }
0x13: {  	[smem:$0x3FB4] =	sst s0;
	s0 =	simm.s32 @!p1 $0x0  }
0x14: {  	s2 =	sld [smem:$0x3F98];
	s0 =	simm.s32 @p1 $0x1  }
0x15: {  	[smem:$0x3FB5] =	sst s0;
	s0 =	simm.s32 @!p2 $0x0  }
0x16: {  	s3 =	sld [smem:$0x3FDB];
	s0 =	simm.s32 @p2 $0x1  }
0x17: {  	s4 =	simm.s32 $0x1BF5;
	[smem:$0x3FB7] =	sst s0  }
0x18: {  	s0 =	sld [smem:$0x3F9A];
	_ =	swait.ge [sflag:s4], $0x0  }
0x19: {  	s7 =	sld [smem:$0x3F9B]  }
0x1a: {  	s8 =	sadd.s32 $0xFFFFE003, lr  }
0x1b: {  	s9 =	sadd.s32 $0xFFFFFEF7, lr;
	s5 =	simm.s32 $0xFFFFFFFF;
	p2 =	slt.u32 s8, $0xFFFFF086  }
0x1c: {  	p1 =	slt.u32 s9, $0xF7A;
	s5 =	simm.s32 @!p2 $0x0  }
0x1d: {  	s5 =	simm.s32 @p1 $0x1;
	p0 =	seq.s32 s7, s2  }
0x1e: {  	s7 =	smul.u32 @!p0 $0xF7A, s2;
	p2 =	seq.s32 @!p0 s5, $0x0  }
0x1f: {  	s9 =	smul.u32 $0xF7A, s1;
	s8 =	simm.s32 @!p0 $0x1BF5;
	p2 =	por !p2, p0  }
0x20: {  	[sflag:s8] =	ssyncset.s32 @!p0 $0xFFFFF086;
	s6 =	sadd.s32 @!p0 s3, s7;
	s7 =	simm.s32 @!p0 $0x108  }
0x21: {  	s3 =	sadd.s32 s3, s9;
	s6 =	sadd.s32 @!p0 $0x88, s6;
	s7 =	simm.s32 @p2 $0x1082  }
0x22: {  	[simem:s7], [sflag:s8] =	dma.local @!p0 [hbm:s6], $0xF7A  }
0x23: {  	s9 =	sor.u32 $0xD0000000, s2;
	s6 =	simm.s32 $0x108;
	_ =	swait.ge @!p0 [sflag:s8], $0x0  }
0x24: {  	s3 =	sadd.s32 $0x88, s3;
	s6 =	simm.s32 @!p1 $0x1082;
	[sflag:s4] =	ssyncset.s32 $0xFFFFF086  }
0x25: {  	[simem:s6], [sflag:s4] =	dma.local [hbm:s3], $0xF7A  }
0x26: {  	[smem:$0x3F9B] =	sst s1;
	(tag) =	ssettag s2;
	_ =	strace s9  }
0x27: {  	s1 =	sld [smem:$0x3FAB]  }
0x28: {  	s2 =	sld [smem:$0x3FAC]  }
0x29: {  	s4 =	sld [smem:$0x3FAE]  }
0x2a: {  	p0 =	seq.s32 s5, $0x0;
	s5 =	sld [smem:$0x3FAF]  }
0x2b: {  	s6 =	sld [smem:$0x3FB0]  }
0x2c: {  	s7 =	sld [smem:$0x3FB1]  }
0x2d: {  	s3 =	simm.s32 $0x108;
	s8 =	sld [smem:$0x3FB2]  }
0x2e: {  	s3 =	simm.s32 @!p0 $0x1082;
	s9 =	sld [smem:$0x3FB3]  }
0x2f: {  	lr =	sadd.s32 s0, s3;
	s0 =	sld [smem:$0x3FAA]  }
0x30: {  	s3 =	sld [smem:$0x3FAD]  }
0x31: {  	[smem:$0x3FB6] =	sst s10  }
0x32: {  	s10 =	sld [smem:$0x3FB4];
	_ =	sdelay $0x3  }
0x33: {  	p0 =	seq.s32 s10, $0x1;
	s10 =	sld [smem:$0x3FB6];
	_ =	sdelay $0x3  }
0x34: {  	[smem:$0x3FB6] =	sst s10  }
0x35: {  	s10 =	sld [smem:$0x3FB5];
	_ =	sdelay $0x3  }
0x36: {  	p1 =	seq.s32 s10, $0x1;
	s10 =	sld [smem:$0x3FB6];
	_ =	sdelay $0x3  }
0x37: {  	[smem:$0x3FB6] =	sst s10  }
0x38: {  	s10 =	sld [smem:$0x3FB7]  }
0x39: {  	_ = 	snop;
	(pc) =	sbr.ind lr, $3  }
0x3a: {  	_ = 	snop  }
0x3b: {  	_ = 	snop  }
0x3c: {  	p2 =	seq.s32 s10, $0x1;
	s10 =	sld [smem:$0x3FB6]  }
0x3d: {  	_ =	shalt  }
0x3e: {  	_ =	shalt  }
0x3f: {  	_ =	shalt  }
0x40: {  	_ =	shalt  }
0x41: {  	_ =	shalt  }
0x42: {  	_ =	shalt  }
0x43: {  	_ =	shalt  }
0x44: {  	_ =	shalt  }
0x45: {  	_ =	shalt  }
0x46: {  	_ =	shalt  }
0x47: {  	_ =	shalt  }
0x48: {  	_ =	shalt  }
0x49: {  	_ =	shalt  }
0x4a: {  	_ =	shalt  }
0x4b: {  	_ =	shalt  }
0x4c: {  	_ =	shalt  }
0x4d: {  	_ =	shalt  }
0x4e: {  	_ =	shalt  }
0x4f: {  	_ =	shalt  }
0x50: {  	_ =	shalt  }
0x51: {  	_ =	shalt  }
0x52: {  	_ =	shalt  }
0x53: {  	_ =	shalt  }
0x54: {  	_ =	shalt  }
0x55: {  	_ =	shalt  }
0x56: {  	_ =	shalt  }
0x57: {  	_ =	shalt  }
0x58: {  	_ =	shalt  }
0x59: {  	_ =	shalt  }
0x5a: {  	_ =	shalt  }
0x5b: {  	_ =	shalt  }
0x5c: {  	_ =	shalt  }
0x5d: {  	_ =	shalt  }
0x5e: {  	_ =	shalt  }
0x5f: {  	_ =	shalt  }
0x60: {  	_ =	shalt  }
0x61: {  	_ =	shalt  }
0x62: {  	_ =	shalt  }
0x63: {  	_ =	shalt  }
0x64: {  	_ =	shalt  }
0x65: {  	_ =	shalt  }
0x66: {  	_ =	shalt  }
0x67: {  	_ =	shalt  }
0x68: {  	_ =	shalt  }
0x69: {  	_ =	shalt  }
0x6a: {  	_ =	shalt  }
0x6b: {  	_ =	shalt  }
0x6c: {  	_ =	shalt  }
0x6d: {  	_ =	shalt  }
0x6e: {  	_ =	shalt  }
0x6f: {  	_ =	shalt  }
0x70: {  	_ =	shalt  }
0x71: {  	_ =	shalt  }
0x72: {  	_ =	shalt  }
0x73: {  	_ =	shalt  }
0x74: {  	_ =	shalt  }
0x75: {  	_ =	shalt  }
0x76: {  	_ =	shalt  }
0x77: {  	_ =	shalt  }
0x78: {  	_ =	shalt  }
0x79: {  	_ =	shalt  }
0x7a: {  	_ =	shalt  }
0x7b: {  	_ =	shalt  }
0x7c: {  	_ =	shalt  }
0x7d: {  	_ =	shalt  }
0x7e: {  	_ =	shalt  }
0x7f: {  	_ =	shalt  }
0x80: {  	_ =	shalt  }
0x81: {  	_ =	shalt  }
0x82: {  	_ =	shalt  }
0x83: {  	_ =	shalt  }
0x84: {  	_ =	shalt  }
0x85: {  	_ =	shalt  }
0x86: {  	_ =	shalt  }
0x87: {  	_ =	shalt  }
.Lfunc_end0:
.L_simem_size_0:
called_computation_lowered:
.L_overlay_start_0:
0x88: {  	s2 =	sld [smem:$0x3FD9]  }
0x89: {  	s3 =	sld [smem:$0x3FFE];
	_ =	sdelay $0x1  }
0x8a: {  	s1 =	srdreg.scid  }
0x8b: {  	s0 =	sand.u32 $0x1, s1  }
0x8c: {  	s16 =	sshll.u32 s0, $0xA;
	s2 =	sadd.s32 s3, s2  }
0x8d: {  	s2 =	sadd.s32 s2, s16  }
0x8e: {  	[smem:$0x3FC2] =	sst s2  }
0x8f: {  	_ = 	snop  }
0x90: {  	(tm) =	ssettm $0x1  }
0x91: {  	s17 =	sld [smem:$0x3FFB];
	_ =	sdelay $0x3  }
0x92: {  	_ =	strace s17  }
0x93: {  	s2 =	sld [smem:$0x3FFC];
	_ =	sdelay $0x3  }
0x94: {  	_ =	strace s2  }
0x95: {  	s2 =	sld [smem:$0x3FFD];
	_ =	sdelay $0x3  }
0x96: {  	_ =	strace s2  }
0x97: {  	_ =	strace $0x8FFFFFFF  }
0x98: {  	s18 =	sld [smem:$0x3FDB];
	_ =	sdelay $0x1  }
0x99: {  	s19 =	simm.s32 $_scs_section_size  }
0x9a: {  	s4 =	simm.s32 $_size__tile_overlayer_lowered;
	s5 =	simm.s32 $_tile_overlayer_lowered  }
0x9b: {  	s22 =	simm.s32 $0x1BFF;
	s21 =	sshll.u32 s5, $0x1;
	s2 =	sadd.s32 s19, s18  }
0x9c: {  	s6 =	simm.s32 $0x0;
	s20 =	sshll.u32 s4, $0x1;
	s4 =	sadd.s32 s21, s2  }
0x9d: {  	[timem:s6], [sflag:s22] =	dma.local [hbm:s4], s20  }
0x9e: {  	_ =	swait.ge [sflag:s22], s20  }
0x9f: {  	s3 =	ssub.s32 $0x0, s20;
	[sflag:s22] =	ssyncset.done $0x0  }
0xa0: {  	[sflag:s22] =	ssyncadd.s32 s3;
	_ =	sdelay $0x1  }
0xa1: {  	s23 =	simm.s32 $0x1B8B  }
0xa2: {  	_ =	swait.ge [sflag:s23], $0x1  }
0xa3: {  	[sflag:s23] =	ssyncset.done $0x0  }
0xa4: {  	s25 =	simm.s32 $0x1B8E;
	s24 =	sld [smem:$0x3FFE];
	[sflag:s23] =	ssyncadd.s32 $0xFFFFFFFF  }
0xa5: {  	s26 =	simm.s32 $execute0_lowered;
	[smem:$0x3FD2] =	sst s25  }
0xa6: {  	s4 =	sshll.u32 s26, $0x1;
	_ =	strace $0x80000046;
	[dreg:$0x1] =	wrdreg $0xFFFFFFFF  }
0xa7: {  	s28 =	simm.s32 $_size_execute0_lowered;
	s2 =	sadd.s32 s2, s4;
	[dreg:$0x0] =	wrdreg $0x0  }
0xa8: {  	s4 =	sshll.u32 s28, $0x1;
	[dreg:$0x2] =	wrdreg s2  }
0xa9: {  	[dreg:$0x3] =	wrdreg s4  }
0xaa: {  	[dreg:$0x4] =	wrdreg $0xC0  }
0xab: {  	_ =	task [dreg:s6], $0x5FFFF  }
0xac: {  	[dreg:$0x1] =	wrdreg $0xFFFFFFFF  }
0xad: {  	[dreg:$0x0] =	wrdreg $0x60  }
0xae: {  	[dreg:$0x2] =	wrdreg s24  }
0xaf: {  	[dreg:$0x3] =	wrdreg $0x30000  }
0xb0: {  	[dreg:$0x4] =	wrdreg $0x9  }
0xb1: {  	_ =	task.clear_ibuf [dreg:s6], $0x5FFFF;
	_ =	strace $0x90000046  }
0xb2: {  	s29 =	simm.s32 $0x9;
	_ =	strace $0x80000048  }
0xb3: {  	_ =	swait.ge [sflag:s29], $0x1  }
0xb4: {  	[sflag:s29] =	ssyncadd.s32 $0xFFFFFFFF  }
0xb5: {  	_ =	strace $0x90000048  }
0xb6: {  	_ =	sfence  }
0xb7: {  	s30 =	sld [smem:$0x0];
	_ =	sdelay $0x2  }
0xb8: {  	s31 =	sshll.u32 s1, $0xD;
	s1 =	sshrl.u32 s1, $0x2  }
0xb9: {  	s3 =	sand.u32 $0x4000, s31;
	s1 =	sadd.s32 s1, s30  }
0xba: {  	s0 =	sor.u32 s3, s0;
	s1 =	sshll.u32 s1, $0x11  }
0xbb: {  	s0 =	sor.u32 s1, s0  }
0xbc: {  	s0 =	sadd.s32 $0x8F2B, s0  }
0xbd: {  	[sflag:s0] =	ssyncadd.remote.s32 $0x1  }
0xbe: {  	_ =	sfence.sel $0xFFFF  }
0xbf: {  	[dreg:$0x0] =	wrdreg $0xFFFFFFFF;
	(pc) =	sbr.abs _section_cstart, $3  }
0xc0: {  	[dreg:$0x1] =	wrdreg $0xFFFFFFFF  }
0xc1: {  	_ =	task.clear_ibuf [dreg:s6], $0x2FFFF;
	_ =	strace $0x9FFFFFFF  }
0xc2: {  	(tm) =	ssettm $0x7FFFFFFF  }
0xc3: {  	_ =	shalt  }
tec
execute0_lowered:
.L_overlay_start_1:
0x0: {  	(tag) =	ssettag $0x1  }
0x1: {  	s4 =	rddreg [dreg:$0x0]  }
0x2: {  	s1 =	rddreg [dreg:$0x1];
	s3 =	srdreg.scid  }
0x3: {  	s0 =	rddreg [dreg:$0x2];
	s2 =	simm.s32 $0x0;
	s5 =	sand.u32 $0x1, s3  }
0x4: {  	s9 =	simm.s32 $0x80;
	s3 =	stileid.u32;
	s6 =	smul.u32 $0x4F00, s5  }
0x5: {  	s13 =	simm.s32 $0x0;
	[smem:$0x7FF] =	sst s2;
	s7 =	smul.u32 $0x2780, s3  }
0x6: {  	_ =	strace $0x80000047;
	s5 =	ssub.s32 $0x2, s5;
	s8 =	smul.u32 $0x4F0, s3  }
0x7: {  	s31 =	sshll.u32 s3, $0x6;
	s30 =	sshrl.u32 s5, $0x1;
	s6 =	sadd.s32 s6, s4  }
0x8: {  	s5 =	ssub.s32 s5, s30;
	s4 =	sadd.s32 s7, s1;
	s11 =	sshrl.u32 s7, $0x3  }
0x9: {  	s7 =	simm.s32 $0x880;
	s10 =	sadd.s32 $0x15400, s6;
	s5 =	smax.u32 s5, $0x1  }
0xa: {  	s6 =	sadd.s32 s8, s6;
	s8 =	simm.s32 $0x1;
	s12 =	sshrl.u32 s4, $0x3  }
0xb: {  	v0 =	vimm.f32 $0.0e+00;
	v1 =	vimm.f32 $1.000000000e+00;
	s6 =	sadd.s32 $0xB600, s6;
	s10 =	sadd.s32 s11, s10;
	s11 =	sor.u32 $0x1C01, s31  }
.LBB2_1:
0xc: {  	s14 =	simm.s32 $0x0  }
.LBB2_2:
0xd: {  	p0 =	sne.s32 s14, $0x9DC0  }
.Ltmp0:
0xe: {  	_ = 	snop;
	(pc) =	sbr.rel @p0 .LBB2_2-.Ltmp0, $3  }
0xf: {  	_ =	sdelay $0x1  }
0x10: {  	s15 =	sshra.s32 s14, $0x2  }
0x11: {  	s14 =	sadd.s32 $0x40, s14;
	[tilespmem:s15+$0x880] =	vst v0  }
0x12: {  	s14 =	simm.s32 $0x40;
	s15 =	simm.s32 $0x0  }
.LBB2_4:
0x13: {  	p0 =	sne.s32 s14, $0x1FC0;
	[tilespmem:s15+$0x80] =	vst v1;
	s15 =	smov.u32 s14;
	s14 =	sadd.s32 $0x40, s14  }
.Ltmp1:
0x14: {  	(pc) =	sbr.rel @p0 .LBB2_4-.Ltmp1, $2  }
0x15: {  	_ =	sdelay $0x2  }
0x16: {  	s15 =	sshra.s32 s15, $0x2  }
0x17: {  	[tilespmem:s15+$0x80] =	vst v1  }
0x18: {  	[spmem:s4] =	stream.linear.scatter [tilespmem:s7], [sflag:$0x1], $0x2780, $0x38;
	[tilespmem:$0x5780] =	vst v63  }
0x19: {  	_ =	swait.ge [sflag:s8], $0x2780  }
0x1a: {  	[sflag:s8] =	ssyncset.done $0x0  }
0x1b: {  	[sflag:s8] =	ssyncadd.s32 $0xFFFFD880  }
0x1c: {  	s14 =	sadd.s32 $0x0, s6;
	[bflag:$0x0] =	sbarrier.arrive $0xFFFF  }
0x1d: {  	[tilespmem:s2], [sflag:$0x1] =	stream.linear.gather [hbm4b:s14+s2], $0x80, $0x38;
	[tilespmem:$0x5780] =	vst v63  }
0x1e: {  	_ =	swait.ge [sflag:s8], $0x80  }
0x1f: {  	[sflag:s8] =	ssyncset.done $0x0  }
0x20: {  	[sflag:s8] =	ssyncadd.s32 $0xFFFFFF80  }
0x21: {  	[spmem:s1] =	stream.indirect.scatter.add.f32 [tilespmem:s9], [sflag:$0x1], $0x10, s2, s9, $0xb8;
	[tilespmem:$0x5780] =	vst v63  }
0x22: {  	_ =	swait.ge [sflag:s8], $0x800  }
0x23: {  	s15 =	simm.s32 $0x20;
	s14 =	simm.s32 $0x10;
	[sflag:s8] =	ssyncset.done $0x0  }
.LBB2_6:
0x24: {  	s16 =	sadd.s32 s14, s6  }
0x25: {  	[sflag:s8] =	ssyncadd.s32 $0xFFFFF800;
	s14 =	smov.u32 s15;
	s17 =	sadd.s32 $0x10, s15  }
0x26: {  	[tilespmem:s2], [sflag:$0x1] =	stream.linear.gather [hbm4b:s16+s2], $0x80, $0x38;
	[tilespmem:$0x5780] =	vst v63  }
0x27: {  	p0 =	sne.s32 s15, $0x4E0;
	_ =	swait.ge [sflag:s8], $0x80  }
.Ltmp2:
0x28: {  	[sflag:s8] =	ssyncset.done $0x0;
	(pc) =	sbr.rel @p0 .LBB2_6-.Ltmp2, $4  }
0x29: {  	[sflag:s8] =	ssyncadd.s32 $0xFFFFFF80  }
0x2a: {  	[spmem:s1] =	stream.indirect.scatter.add.f32 [tilespmem:s9], [sflag:$0x1], $0x10, s2, s9, $0xb8;
	[tilespmem:$0x5780] =	vst v63  }
0x2b: {  	_ =	swait.ge [sflag:s8], $0x800  }
0x2c: {  	s15 =	smov.u32 s17;
	[sflag:s8] =	ssyncset.done $0x0  }
0x2d: {  	s14 =	sadd.s32 s14, s6;
	[sflag:s8] =	ssyncadd.s32 $0xFFFFF800  }
0x2e: {  	[tilespmem:s2], [sflag:$0x1] =	stream.linear.gather [hbm4b:s14+s2], $0x80, $0x38;
	[tilespmem:$0x5780] =	vst v63  }
0x2f: {  	_ =	swait.ge [sflag:s8], $0x80  }
0x30: {  	[sflag:s8] =	ssyncset.done $0x0  }
0x31: {  	[sflag:s8] =	ssyncadd.s32 $0xFFFFFF80  }
0x32: {  	[spmem:s1] =	stream.indirect.scatter.add.f32 [tilespmem:s9], [sflag:$0x1], $0x10, s2, s9, $0xb8;
	[tilespmem:$0x5780] =	vst v63  }
0x33: {  	_ =	swait.ge [sflag:s8], $0x800  }
0x34: {  	s13 =	sadd.s32 $0x1, s13;
	[sflag:s8] =	ssyncset.done $0x0  }
0x35: {  	p0 =	sne.s32 s13, s5;
	[sflag:s8] =	ssyncadd.s32 $0xFFFFF800  }
.Ltmp3:
0x36: {  	[bflag:$0x0] =	sbarrier.arrive $0xFFFF;
	(pc) =	sbr.rel @p0 .LBB2_1-.Ltmp3, $4  }
0x37: {  	[hbm:s10], [sflag:s11] =	dma.local [spmem:s12], $0x4F0  }
0x38: {  	_ =	swait.ge [sflag:s8], $0x4F0  }
0x39: {  	[sflag:s8] =	ssyncset.done $0x0  }
0x3a: {  	[sflag:s8] =	ssyncadd.s32 $0xFFFFFB10  }
0x3b: {  	_ =	sfence.sel $0x180000  }
0x3c: {  	[bflag:$0x0] =	sbarrier.arrive $0xFFFF  }
0x3d: {  	p0 =	sne.s32 s3, $0x0;
	_ =	strace $0x90000047  }
0x3e: {  	s0 =	sadd.s32 @!p0 $0x100000, s0;
	[bflag:$0x2] =	sbarrier.arrive $0xFFFF  }
0x3f: {  	[sflag:s0] =	ssyncadd.tile.s32 @!p0 $0x1;
	_ =	shalt  }
.Lfunc_end2:
_tile_overlayer_lowered:
.L_overlay_start_2:
0x40: {  	(tag) =	ssettag $0x2  }
0x41: {  	s0 =	rddreg [dreg:$0x0];
	s2 =	stileid.u32  }
0x42: {  	s1 =	rddreg [dreg:$0x1];
	p0 =	sne.s32 s2, $0x0  }
0x43: {  	s3 =	rddreg [dreg:$0x2];
	[bflag:$0x3] =	sbarrier.arrive $0xFFFF;
	s2 =	simm.s32 @!p0 $0x1C01  }
0x44: {  	[timem:s3], [sflag:s2] =	dma.local @!p0 [hbm:s0], s1  }
0x45: {  	s0 =	simm.s32 @!p0 $0x1  }
0x46: {  	_ =	swait.ge @!p0 [sflag:s0], s1  }
0x47: {  	s1 =	ssub.s32 @!p0 $0x0, s1;
	[sflag:s0] =	ssyncset.done @!p0 $0x0  }
0x48: {  	[sflag:s0] =	ssyncadd.s32 @!p0 s1  }
0x49: {  	[bflag:$0x3] =	sbarrier.arrive $0xFFFF  }
0x4a: {  	_ =	shalt  }

</sc_bundles>
